<compile_context>
chip_gen: v7x
topology: tpu7x:2x2x1
jax: 0.10.2.dev20260603
libtpu: 0.0.44.dev20260713+nightly
codegen_flags: <defaults>
</compile_context>

<pallas_src>
import jax
import jax.numpy as jnp
from jax import lax
from jax.experimental import pallas as pl
from jax.experimental.pallas import tpu as pltpu
from jax.experimental.pallas import tpu_sc as plsc


def _scores_body(a_ref, wb_ref, o_ref):
    eps = 1e-10

    def r(k):
        return a_ref[k]

    def w(k):
        return wb_ref[k]

    z = w(0) * r(0) + w(1) * r(1) + w(2) * r(2) + w(3) * r(3)
    z = z + w(4) * jnp.log(r(4))
    for j in range(9):
        x = r(6 + j)
        z = z + w(5 + j) * (jnp.log(jnp.abs(x) + eps) * jnp.sign(x))
    z = z + w(14) * (jnp.sqrt(r(7)) / (jnp.sqrt(r(6)) + eps))
    z = z + w(15) * jnp.cos(r(5))
    z = z + w(16) * jnp.sin(r(5))
    z = z + w(17)
    o_ref[...] = 1.0 / (1.0 + jnp.exp(-z))


def _compute_scores(attr_t, weight, bias, *, interpret=False):
    _, rows, lanes = attr_t.shape
    sub = 64
    wb = jnp.concatenate([weight[:, 0], bias])
    out = pl.pallas_call(
        _scores_body,
        grid=(rows // sub,),
        in_specs=[
            pl.BlockSpec((15, sub, lanes), lambda i: (0, i, 0)),
            pl.BlockSpec(memory_space=pltpu.SMEM),
        ],
        out_specs=pl.BlockSpec((sub, lanes), lambda i: (i, 0)),
        out_shape=jax.ShapeDtypeStruct((rows, lanes), jnp.float32),
        interpret=interpret,
    )(attr_t, wb)
    return out


def _gather_mul_sc(scores, x_flat, idx_flat, *, chunk=8192, interpret=False):
    total = x_flat.shape[0]
    n_cc = scores.shape[0]
    try:
        info = plsc.get_sparse_core_info()
        nc, ns = info.num_cores, info.num_subcores
    except ValueError:
        nc, ns = 2, 16
    nw = nc * ns
    per_w = total // nw
    assert total % nw == 0 and per_w % chunk == 0
    n_chunks = per_w // chunk
    mesh = plsc.VectorSubcoreMesh(
        core_axis_name="c", subcore_axis_name="s", num_cores=nc, num_subcores=ns)

    assert n_chunks % 2 == 0 and n_cc % ns == 0

    def body(scores_hbm, x_hbm, idx_hbm, out_hbm, tab_sh, idx0, idx1, x0, x1,
             g0, g1, sem_i, sem_x, sem_g, sem_o):
        c = lax.axis_index("c")
        s = lax.axis_index("s")
        wid = s * nc + c
        base = wid * per_w
        idx_b = (idx0, idx1)
        x_b = (x0, x1)
        g_b = (g0, g1)

        def start_in(k, b):
            off = base + k * chunk
            pltpu.async_copy(idx_hbm.at[pl.ds(off, chunk)], idx_b[b],
                             sem_i.at[b])
            pltpu.async_copy(x_hbm.at[pl.ds(off, chunk)], x_b[b], sem_x.at[b])

        def wait_in(b):
            pltpu.make_async_copy(idx_hbm.at[pl.ds(0, chunk)], idx_b[b],
                                  sem_i.at[b]).wait()
            pltpu.make_async_copy(x_hbm.at[pl.ds(0, chunk)], x_b[b],
                                  sem_x.at[b]).wait()

        def wait_out(b):
            pltpu.make_async_copy(g_b[b], out_hbm.at[pl.ds(0, chunk)],
                                  sem_o.at[b]).wait()

        def start_gather(b):
            pltpu.async_copy(tab_sh.at[idx_b[b]], g_b[b], sem_g.at[b])

        def wait_gather(b):
            pltpu.make_async_copy(tab_sh.at[idx_b[b]], g_b[b],
                                  sem_g.at[b]).wait()

        start_in(0, 0)
        start_in(1, 1)
        seg = n_cc // ns
        pltpu.sync_copy(scores_hbm.at[pl.ds(s * seg, seg)],
                        tab_sh.at[pl.ds(s * seg, seg)])
        plsc.subcore_barrier()
        wait_in(0)
        start_gather(0)

        def chunk_pair(g, carry):
            for b in range(2):
                k = 2 * g + b
                b2 = 1 - b
                wait_gather(b)

                @pl.when(k + 1 < n_chunks)
                def _():
                    wait_in(b2)

                    @pl.when(k >= 1)
                    def _():
                        wait_out(b2)

                    start_gather(b2)

                def mul(i, carry2):
                    sl = pl.ds(i * 16, 16)
                    g_b[b][sl] = g_b[b][sl] * x_b[b][sl]
                    return carry2

                lax.fori_loop(0, chunk // 16, mul, 0, unroll=16)
                off = base + k * chunk
                pltpu.async_copy(g_b[b], out_hbm.at[pl.ds(off, chunk)],
                                 sem_o.at[b])

                @pl.when(k + 2 < n_chunks)
                def _():
                    start_in(k + 2, b)

            return carry

        lax.fori_loop(0, n_chunks // 2, chunk_pair, 0)
        wait_out(0)
        wait_out(1)

    fn = pl.kernel(
        body,
        out_type=jax.ShapeDtypeStruct((total,), jnp.float32),
        mesh=mesh,
        scratch_types=[
            pltpu.VMEM_SHARED((n_cc,), jnp.float32),
            pltpu.VMEM((chunk,), jnp.int32),
            pltpu.VMEM((chunk,), jnp.int32),
            pltpu.VMEM((chunk,), jnp.float32),
            pltpu.VMEM((chunk,), jnp.float32),
            pltpu.VMEM((chunk,), jnp.float32),
            pltpu.VMEM((chunk,), jnp.float32),
            pltpu.SemaphoreType.DMA((2,)),
            pltpu.SemaphoreType.DMA((2,)),
            pltpu.SemaphoreType.DMA((2,)),
            pltpu.SemaphoreType.DMA((2,)),
        ],
        interpret=interpret,
    )
    return fn(scores, x_flat, idx_flat)


def kernel(input, attributes, pixel_cc, weight, bias):
    h, w = input.shape
    n = attributes.shape[0]
    n_pad = 1 << 20
    rows = lanes = 1024
    attr_p = jnp.concatenate(
        [attributes, jnp.ones((n_pad - n, 15), jnp.float32)], axis=0)
    attr_t = attr_p.T.reshape(15, rows, lanes)
    scores = _compute_scores(attr_t, weight, bias).reshape(-1)
    idx = pixel_cc.reshape(-1).astype(jnp.int32)
    x = input.reshape(-1)
    out = _gather_mul_sc(scores, x, idx)
    return out.reshape(h, w)

# --- scband reference (transcript-rebuilt; emitter-appended) ---
"""Pipeline reference for scband-single-channel-differential-maxtree-63187558859118 (READ-ONLY COPY).

The authoritative reference and input builder live on the scoring server;
editing this copy changes nothing except your own understanding.
"""

import jax, jax.numpy as jnp
import numpy as np

NUM_FEATURES = 17
H, W = 4096, 4096
N_CC = 1000000


def _log_scaling(feats):
    # feats: (N_cc, 15) raw attributes:
    # xmin, ymin, xmax, ymax, area, angle, pca_big, pca_small, hu_1..hu_7
    eps = 1e-10
    lshape = jnp.sqrt(feats[:, 7:8]) / (jnp.sqrt(feats[:, 6:7]) + eps)
    cosangle = jnp.cos(feats[:, 5:6])
    sinangle = jnp.sin(feats[:, 5:6])
    log_area = jnp.log(feats[:, 4:5])
    signed_log = jnp.log(jnp.abs(feats[:, 6:]) + eps) * jnp.sign(feats[:, 6:])
    # matches torch: cat(feats[:, :5] (with col4 -> log area), feats[:, 6:] (signed log), lshape, cos, sin)
    return jnp.concatenate([feats[:, :4], log_area, signed_log, lshape, cosangle, sinangle], axis=1)


def setup_inputs(seed: int = 0) -> dict:
    key = jax.random.key(seed)
    k1, k2, k3, k4, k5 = jax.random.split(key, 5)
    inp = jax.random.normal(k1, (H, W), dtype=jnp.float32)
    # synthetic maxtree attributes (stand-in for maxtreetorch.maxtree output);
    # uniform (0,1) keeps sqrt/log well-defined, scale area/pca to realistic positive ranges
    attributes = jax.random.uniform(k2, (N_CC, 15), dtype=jnp.float32, minval=1e-3, maxval=1.0)
    attributes = attributes.at[:, 4].set(attributes[:, 4] * 1e4 + 1.0)      # area
    attributes = attributes.at[:, 6].set(attributes[:, 6] * 100.0 + 1.0)    # pca_big
    attributes = attributes.at[:, 7].set(attributes[:, 7] * 50.0 + 0.5)     # pca_small
    pixel_cc = jax.random.randint(k3, (H, W), 0, N_CC, dtype=jnp.int64)
    weight = jax.random.uniform(k4, (NUM_FEATURES, 1), dtype=jnp.float32, minval=-0.01, maxval=0.01)
    bias = jnp.zeros((1,), dtype=jnp.float32)
    return {"input": inp, "attributes": attributes, "pixel_cc": pixel_cc, "weight": weight, "bias": bias}


def reference(input, attributes, pixel_cc, weight, bias):
    # component scores: logits over rescaled shape attributes
    rescaled = _log_scaling(attributes)                 # (N_cc, 17)
    linear_attr = rescaled @ weight + bias[None, :]     # (N_cc, 1)
    cc_scores = jax.nn.sigmoid(linear_attr)[:, 0]       # (N_cc,)
    # tree reconstruction modeled as per-pixel gather of its component score
    # (stand-in for maxtreetorch.forward): filtered = input * score[cc(pixel)]
    filtered = input * jnp.take(cc_scores, pixel_cc, axis=0)
    return filtered

if __name__ == "__main__":
    import jax
    _d = setup_inputs()
    print(jax.jit(kernel)(*tuple(_d.values())))

</pallas_src>

<mosaic_0001>
#map = affine_map<(d0, d1) -> (0)>
module attributes {stable_mosaic.version = 14 : i64} {
  func.func @body(%arg0: i32, %arg1: i32, %arg2: memref<1048576xf32, #tpu.memory_space<hbm>>, %arg3: memref<16777216xf32, #tpu.memory_space<hbm>>, %arg4: memref<16777216xi32, #tpu.memory_space<hbm>>, %arg5: memref<16777216xf32, #tpu.memory_space<hbm>>, %arg6: memref<1048576xf32, #tpu.memory_space<vmem_shared>>, %arg7: memref<8192xi32, #tpu.memory_space<vmem>>, %arg8: memref<8192xi32, #tpu.memory_space<vmem>>, %arg9: memref<8192xf32, #tpu.memory_space<vmem>>, %arg10: memref<8192xf32, #tpu.memory_space<vmem>>, %arg11: memref<8192xf32, #tpu.memory_space<vmem>>, %arg12: memref<8192xf32, #tpu.memory_space<vmem>>, %arg13: memref<2x!tpu.dma_semaphore, #tpu.memory_space<semaphore_mem>>, %arg14: memref<2x!tpu.dma_semaphore, #tpu.memory_space<semaphore_mem>>, %arg15: memref<2x!tpu.dma_semaphore, #tpu.memory_space<semaphore_mem>>, %arg16: memref<2x!tpu.dma_semaphore, #tpu.memory_space<semaphore_mem>>) attributes {dimension_semantics = [#tpu.dimension_semantics<core_parallel>, #tpu.dimension_semantics<subcore_parallel>], iteration_bounds = array<i64: 2, 16>, scalar_prefetch = 0 : i64, scratch_operands = 11 : i64, tpu.core_type = #tpu.core_type<sc_vector_subcore>, window_params = [{transform_indices = #map}, {transform_indices = #map}, {transform_indices = #map}, {transform_indices = #map}]} {
    %mul3A = arith.constant 2 : i32
    %mul3A_0 = arith.muli %arg1, %mul3A : i32
    %add3A = arith.addi %mul3A_0, %arg0 : i32
    %mul3A_1 = arith.constant 524288 : i32
    %mul3A_2 = arith.muli %add3A, %mul3A_1 : i32
    %add3A_3 = arith.constant 0 : i32
    %add3A_4 = arith.addi %mul3A_2, %add3A_3 : i32
    %dma_start3A = arith.constant 0 : i32
    %dma_start3A_5 = tpu.memref_slice %arg4[%add3A_4] : memref<16777216xi32, #tpu.memory_space<hbm>> -> memref<8192xi32, #tpu.memory_space<hbm>>
    %dma_start3A_6 = tpu.memref_slice %arg13[%dma_start3A] : memref<2x!tpu.dma_semaphore, #tpu.memory_space<semaphore_mem>> -> memref<1x!tpu.dma_semaphore, #tpu.memory_space<semaphore_mem>>
    %dma_start3A_7 = tpu.memref_squeeze %dma_start3A_6 : memref<1x!tpu.dma_semaphore, #tpu.memory_space<semaphore_mem>> -> memref<!tpu.dma_semaphore, #tpu.memory_space<semaphore_mem>>
    %dma_start3A_8 = tpu.memref_slice %arg4[%add3A_4] : memref<16777216xi32, #tpu.memory_space<hbm>> -> memref<8192xi32, #tpu.memory_space<hbm>>
    tpu.enqueue_dma source(%dma_start3A_8 : memref<8192xi32, #tpu.memory_space<hbm>>) target(%arg7 : memref<8192xi32, #tpu.memory_space<vmem>>) target_semaphore(%dma_start3A_7 : memref<!tpu.dma_semaphore, #tpu.memory_space<semaphore_mem>>)
    %dma_start3A_9 = arith.constant 0 : i32
    %dma_start3A_10 = tpu.memref_slice %arg3[%add3A_4] : memref<16777216xf32, #tpu.memory_space<hbm>> -> memref<8192xf32, #tpu.memory_space<hbm>>
    %dma_start3A_11 = tpu.memref_slice %arg14[%dma_start3A_9] : memref<2x!tpu.dma_semaphore, #tpu.memory_space<semaphore_mem>> -> memref<1x!tpu.dma_semaphore, #tpu.memory_space<semaphore_mem>>
    %dma_start3A_12 = tpu.memref_squeeze %dma_start3A_11 : memref<1x!tpu.dma_semaphore, #tpu.memory_space<semaphore_mem>> -> memref<!tpu.dma_semaphore, #tpu.memory_space<semaphore_mem>>
    %dma_start3A_13 = tpu.memref_slice %arg3[%add3A_4] : memref<16777216xf32, #tpu.memory_space<hbm>> -> memref<8192xf32, #tpu.memory_space<hbm>>
    tpu.enqueue_dma source(%dma_start3A_13 : memref<8192xf32, #tpu.memory_space<hbm>>) target(%arg9 : memref<8192xf32, #tpu.memory_space<vmem>>) target_semaphore(%dma_start3A_12 : memref<!tpu.dma_semaphore, #tpu.memory_space<semaphore_mem>>)
    %add3A_14 = arith.constant 8192 : i32
    %add3A_15 = arith.addi %mul3A_2, %add3A_14 : i32
    %dma_start3A_16 = arith.constant 1 : i32
    %dma_start3A_17 = tpu.memref_slice %arg4[%add3A_15] : memref<16777216xi32, #tpu.memory_space<hbm>> -> memref<8192xi32, #tpu.memory_space<hbm>>
    %dma_start3A_18 = tpu.memref_slice %arg13[%dma_start3A_16] : memref<2x!tpu.dma_semaphore, #tpu.memory_space<semaphore_mem>> -> memref<1x!tpu.dma_semaphore, #tpu.memory_space<semaphore_mem>>
    %dma_start3A_19 = tpu.memref_squeeze %dma_start3A_18 : memref<1x!tpu.dma_semaphore, #tpu.memory_space<semaphore_mem>> -> memref<!tpu.dma_semaphore, #tpu.memory_space<semaphore_mem>>
    %dma_start3A_20 = tpu.memref_slice %arg4[%add3A_15] : memref<16777216xi32, #tpu.memory_space<hbm>> -> memref<8192xi32, #tpu.memory_space<hbm>>
    tpu.enqueue_dma source(%dma_start3A_20 : memref<8192xi32, #tpu.memory_space<hbm>>) target(%arg8 : memref<8192xi32, #tpu.memory_space<vmem>>) target_semaphore(%dma_start3A_19 : memref<!tpu.dma_semaphore, #tpu.memory_space<semaphore_mem>>)
    %dma_start3A_21 = arith.constant 1 : i32
    %dma_start3A_22 = tpu.memref_slice %arg3[%add3A_15] : memref<16777216xf32, #tpu.memory_space<hbm>> -> memref<8192xf32, #tpu.memory_space<hbm>>
    %dma_start3A_23 = tpu.memref_slice %arg14[%dma_start3A_21] : memref<2x!tpu.dma_semaphore, #tpu.memory_space<semaphore_mem>> -> memref<1x!tpu.dma_semaphore, #tpu.memory_space<semaphore_mem>>
    %dma_start3A_24 = tpu.memref_squeeze %dma_start3A_23 : memref<1x!tpu.dma_semaphore, #tpu.memory_space<semaphore_mem>> -> memref<!tpu.dma_semaphore, #tpu.memory_space<semaphore_mem>>
    %dma_start3A_25 = tpu.memref_slice %arg3[%add3A_15] : memref<16777216xf32, #tpu.memory_space<hbm>> -> memref<8192xf32, #tpu.memory_space<hbm>>
    tpu.enqueue_dma source(%dma_start3A_25 : memref<8192xf32, #tpu.memory_space<hbm>>) target(%arg10 : memref<8192xf32, #tpu.memory_space<vmem>>) target_semaphore(%dma_start3A_24 : memref<!tpu.dma_semaphore, #tpu.memory_space<semaphore_mem>>)
    %mul3A_26 = arith.constant 65536 : i32
    %mul3A_27 = arith.muli %arg1, %mul3A_26 : i32
    %mul3A_28 = arith.constant 65536 : i32
    %mul3A_29 = arith.muli %arg1, %mul3A_28 : i32
    "tpu.region"() ({
      %run_scoped3A = tpu.sem_alloc : memref<!tpu.dma_semaphore, #tpu.memory_space<semaphore_mem>>
      %dma_start3A_67 = tpu.memref_slice %arg6[%mul3A_29] : memref<1048576xf32, #tpu.memory_space<vmem_shared>> -> memref<65536xf32, #tpu.memory_space<vmem_shared>>
      %dma_start3A_68 = tpu.memref_slice %arg2[%mul3A_27] : memref<1048576xf32, #tpu.memory_space<hbm>> -> memref<65536xf32, #tpu.memory_space<hbm>>
      tpu.enqueue_dma source(%dma_start3A_68 : memref<65536xf32, #tpu.memory_space<hbm>>) target(%dma_start3A_67 : memref<65536xf32, #tpu.memory_space<vmem_shared>>) target_semaphore(%run_scoped3A : memref<!tpu.dma_semaphore, #tpu.memory_space<semaphore_mem>>)
      %dma_wait3A_69 = tpu.memref_slice %arg6[%mul3A_29] : memref<1048576xf32, #tpu.memory_space<vmem_shared>> -> memref<65536xf32, #tpu.memory_space<vmem_shared>>
      %dma_wait3A_70 = tpu.memref_slice %arg2[%mul3A_27] : memref<1048576xf32, #tpu.memory_space<hbm>> -> memref<65536xf32, #tpu.memory_space<hbm>>
      tpu.wait_dma2 semaphore(%run_scoped3A : memref<!tpu.dma_semaphore, #tpu.memory_space<semaphore_mem>>) src(%dma_wait3A_70 : memref<65536xf32, #tpu.memory_space<hbm>>) dst(%dma_wait3A_69 : memref<65536xf32, #tpu.memory_space<vmem_shared>>)
      tpu.yield
    }) : () -> ()
    %barrier3A = arith.constant 0 : index
    tpu.barrier barrier_id(%barrier3A)
    %dma_wait3A = arith.constant 0 : i32
    %dma_wait3A_30 = arith.constant 0 : i32
    %dma_wait3A_31 = tpu.memref_slice %arg4[%dma_wait3A_30] : memref<16777216xi32, #tpu.memory_space<hbm>> -> memref<8192xi32, #tpu.memory_space<hbm>>
    %dma_wait3A_32 = tpu.memref_slice %arg13[%dma_wait3A] : memref<2x!tpu.dma_semaphore, #tpu.memory_space<semaphore_mem>> -> memref<1x!tpu.dma_semaphore, #tpu.memory_space<semaphore_mem>>
    %dma_wait3A_33 = tpu.memref_squeeze %dma_wait3A_32 : memref<1x!tpu.dma_semaphore, #tpu.memory_space<semaphore_mem>> -> memref<!tpu.dma_semaphore, #tpu.memory_space<semaphore_mem>>
    %dma_wait3A_34 = arith.constant 0 : i32
    %dma_wait3A_35 = tpu.memref_slice %arg4[%dma_wait3A_34] : memref<16777216xi32, #tpu.memory_space<hbm>> -> memref<8192xi32, #tpu.memory_space<hbm>>
    tpu.wait_dma2 semaphore(%dma_wait3A_33 : memref<!tpu.dma_semaphore, #tpu.memory_space<semaphore_mem>>) src(%dma_wait3A_35 : memref<8192xi32, #tpu.memory_space<hbm>>) dst(%arg7 : memref<8192xi32, #tpu.memory_space<vmem>>)
    %dma_wait3A_36 = arith.constant 0 : i32
    %dma_wait3A_37 = arith.constant 0 : i32
    %dma_wait3A_38 = tpu.memref_slice %arg3[%dma_wait3A_37] : memref<16777216xf32, #tpu.memory_space<hbm>> -> memref<8192xf32, #tpu.memory_space<hbm>>
    %dma_wait3A_39 = tpu.memref_slice %arg14[%dma_wait3A_36] : memref<2x!tpu.dma_semaphore, #tpu.memory_space<semaphore_mem>> -> memref<1x!tpu.dma_semaphore, #tpu.memory_space<semaphore_mem>>
    %dma_wait3A_40 = tpu.memref_squeeze %dma_wait3A_39 : memref<1x!tpu.dma_semaphore, #tpu.memory_space<semaphore_mem>> -> memref<!tpu.dma_semaphore, #tpu.memory_space<semaphore_mem>>
    %dma_wait3A_41 = arith.constant 0 : i32
    %dma_wait3A_42 = tpu.memref_slice %arg3[%dma_wait3A_41] : memref<16777216xf32, #tpu.memory_space<hbm>> -> memref<8192xf32, #tpu.memory_space<hbm>>
    tpu.wait_dma2 semaphore(%dma_wait3A_40 : memref<!tpu.dma_semaphore, #tpu.memory_space<semaphore_mem>>) src(%dma_wait3A_42 : memref<8192xf32, #tpu.memory_space<hbm>>) dst(%arg9 : memref<8192xf32, #tpu.memory_space<vmem>>)
    %dma_start3A_43 = arith.constant 0 : i32
    %dma_start3A_44 = arith.constant 0 : i32
    %dma_start3A_45 = tpu.memref_slice %arg6[%dma_start3A_44] : memref<1048576xf32, #tpu.memory_space<vmem_shared>> -> memref<1048576xf32, #tpu.memory_space<vmem_shared>>
    %dma_start3A_46 = tpu.memref_slice %arg15[%dma_start3A_43] : memref<2x!tpu.dma_semaphore, #tpu.memory_space<semaphore_mem>> -> memref<1x!tpu.dma_semaphore, #tpu.memory_space<semaphore_mem>>
    %dma_start3A_47 = tpu.memref_squeeze %dma_start3A_46 : memref<1x!tpu.dma_semaphore, #tpu.memory_space<semaphore_mem>> -> memref<!tpu.dma_semaphore, #tpu.memory_space<semaphore_mem>>
    tpu.enqueue_indirect_dma source(%dma_start3A_45 : memref<1048576xf32, #tpu.memory_space<vmem_shared>>) target(%arg11 : memref<8192xf32, #tpu.memory_space<vmem>>) offsets(%arg7 : memref<8192xi32, #tpu.memory_space<vmem>>) semaphore(%dma_start3A_47 : memref<!tpu.dma_semaphore, #tpu.memory_space<semaphore_mem>>)
    %scan3A = arith.constant 0 : i32
    %scan3A_48 = arith.constant 0 : i32
    %scan3A_49 = arith.constant 32 : i32
    %scan3A_50 = arith.addi %scan3A_48, %scan3A_49 : i32
    %scan3A_51 = arith.constant 1 : i32
    scf.for %scan3A_67 = %scan3A_48 to %scan3A_50 step %scan3A_51  : i32 {
      %mul3A_68 = arith.constant 2 : i32
      %mul3A_69 = arith.muli %mul3A_68, %scan3A_67 : i32
      %add3A_70 = arith.constant 0 : i32
      %add3A_71 = arith.addi %mul3A_69, %add3A_70 : i32
      %dma_wait3A_72 = arith.constant 0 : i32
      %dma_wait3A_73 = arith.constant 0 : i32
      %dma_wait3A_74 = tpu.memref_slice %arg6[%dma_wait3A_73] : memref<1048576xf32, #tpu.memory_space<vmem_shared>> -> memref<1048576xf32, #tpu.memory_space<vmem_shared>>
      %dma_wait3A_75 = tpu.memref_slice %arg15[%dma_wait3A_72] : memref<2x!tpu.dma_semaphore, #tpu.memory_space<semaphore_mem>> -> memref<1x!tpu.dma_semaphore, #tpu.memory_space<semaphore_mem>>
      %dma_wait3A_76 = tpu.memref_squeeze %dma_wait3A_75 : memref<1x!tpu.dma_semaphore, #tpu.memory_space<semaphore_mem>> -> memref<!tpu.dma_semaphore, #tpu.memory_space<semaphore_mem>>
      tpu.wait_indirect_dma semaphore(%dma_wait3A_76 : memref<!tpu.dma_semaphore, #tpu.memory_space<semaphore_mem>>) src(%dma_wait3A_74 : memref<1048576xf32, #tpu.memory_space<vmem_shared>>) dst(%arg11 : memref<8192xf32, #tpu.memory_space<vmem>>)
      %add3A_77 = arith.constant 1 : i32
      %add3A_78 = arith.addi %add3A_71, %add3A_77 : i32
      %lt3A = arith.constant 64 : i32
      %lt3A_79 = arith.cmpi slt, %add3A_78, %lt3A : i32
      %convert_element_type3A = arith.extui %lt3A_79 : i1 to i32
      %cond3A = arith.constant 0 : i32
      %cond3A_80 = arith.cmpi ne, %convert_element_type3A, %cond3A : i32
      scf.if %cond3A_80 {
        %dma_wait3A_139 = arith.constant 1 : i32
        %dma_wait3A_140 = arith.constant 0 : i32
        %dma_wait3A_141 = tpu.memref_slice %arg4[%dma_wait3A_140] : memref<16777216xi32, #tpu.memory_space<hbm>> -> memref<8192xi32, #tpu.memory_space<hbm>>
        %dma_wait3A_142 = tpu.memref_slice %arg13[%dma_wait3A_139] : memref<2x!tpu.dma_semaphore, #tpu.memory_space<semaphore_mem>> -> memref<1x!tpu.dma_semaphore, #tpu.memory_space<semaphore_mem>>
        %dma_wait3A_143 = tpu.memref_squeeze %dma_wait3A_142 : memref<1x!tpu.dma_semaphore, #tpu.memory_space<semaphore_mem>> -> memref<!tpu.dma_semaphore, #tpu.memory_space<semaphore_mem>>
        %dma_wait3A_144 = arith.constant 0 : i32
        %dma_wait3A_145 = tpu.memref_slice %arg4[%dma_wait3A_144] : memref<16777216xi32, #tpu.memory_space<hbm>> -> memref<8192xi32, #tpu.memory_space<hbm>>
        tpu.wait_dma2 semaphore(%dma_wait3A_143 : memref<!tpu.dma_semaphore, #tpu.memory_space<semaphore_mem>>) src(%dma_wait3A_145 : memref<8192xi32, #tpu.memory_space<hbm>>) dst(%arg8 : memref<8192xi32, #tpu.memory_space<vmem>>)
        %dma_wait3A_146 = arith.constant 1 : i32
        %dma_wait3A_147 = arith.constant 0 : i32
        %dma_wait3A_148 = tpu.memref_slice %arg3[%dma_wait3A_147] : memref<16777216xf32, #tpu.memory_space<hbm>> -> memref<8192xf32, #tpu.memory_space<hbm>>
        %dma_wait3A_149 = tpu.memref_slice %arg14[%dma_wait3A_146] : memref<2x!tpu.dma_semaphore, #tpu.memory_space<semaphore_mem>> -> memref<1x!tpu.dma_semaphore, #tpu.memory_space<semaphore_mem>>
        %dma_wait3A_150 = tpu.memref_squeeze %dma_wait3A_149 : memref<1x!tpu.dma_semaphore, #tpu.memory_space<semaphore_mem>> -> memref<!tpu.dma_semaphore, #tpu.memory_space<semaphore_mem>>
        %dma_wait3A_151 = arith.constant 0 : i32
        %dma_wait3A_152 = tpu.memref_slice %arg3[%dma_wait3A_151] : memref<16777216xf32, #tpu.memory_space<hbm>> -> memref<8192xf32, #tpu.memory_space<hbm>>
        tpu.wait_dma2 semaphore(%dma_wait3A_150 : memref<!tpu.dma_semaphore, #tpu.memory_space<semaphore_mem>>) src(%dma_wait3A_152 : memref<8192xf32, #tpu.memory_space<hbm>>) dst(%arg10 : memref<8192xf32, #tpu.memory_space<vmem>>)
        %ge3A = arith.constant 1 : i32
        %ge3A_153 = arith.cmpi sge, %add3A_71, %ge3A : i32
        %convert_element_type3A_154 = arith.extui %ge3A_153 : i1 to i32
        %cond3A_155 = arith.constant 0 : i32
        %cond3A_156 = arith.cmpi ne, %convert_element_type3A_154, %cond3A_155 : i32
        scf.if %cond3A_156 {
          %dma_wait3A_162 = arith.constant 1 : i32
          %dma_wait3A_163 = arith.constant 0 : i32
          %dma_wait3A_164 = tpu.memref_slice %arg5[%dma_wait3A_163] : memref<16777216xf32, #tpu.memory_space<hbm>> -> memref<8192xf32, #tpu.memory_space<hbm>>
          %dma_wait3A_165 = tpu.memref_slice %arg16[%dma_wait3A_162] : memref<2x!tpu.dma_semaphore, #tpu.memory_space<semaphore_mem>> -> memref<1x!tpu.dma_semaphore, #tpu.memory_space<semaphore_mem>>
          %dma_wait3A_166 = tpu.memref_squeeze %dma_wait3A_165 : memref<1x!tpu.dma_semaphore, #tpu.memory_space<semaphore_mem>> -> memref<!tpu.dma_semaphore, #tpu.memory_space<semaphore_mem>>
          %dma_wait3A_167 = arith.constant 0 : i32
          %dma_wait3A_168 = tpu.memref_slice %arg5[%dma_wait3A_167] : memref<16777216xf32, #tpu.memory_space<hbm>> -> memref<8192xf32, #tpu.memory_space<hbm>>
          tpu.wait_dma2 semaphore(%dma_wait3A_166 : memref<!tpu.dma_semaphore, #tpu.memory_space<semaphore_mem>>) src(%arg12 : memref<8192xf32, #tpu.memory_space<vmem>>) dst(%dma_wait3A_168 : memref<8192xf32, #tpu.memory_space<hbm>>)
        } else {
        }
        %dma_start3A_157 = arith.constant 1 : i32
        %dma_start3A_158 = arith.constant 0 : i32
        %dma_start3A_159 = tpu.memref_slice %arg6[%dma_start3A_158] : memref<1048576xf32, #tpu.memory_space<vmem_shared>> -> memref<1048576xf32, #tpu.memory_space<vmem_shared>>
        %dma_start3A_160 = tpu.memref_slice %arg15[%dma_start3A_157] : memref<2x!tpu.dma_semaphore, #tpu.memory_space<semaphore_mem>> -> memref<1x!tpu.dma_semaphore, #tpu.memory_space<semaphore_mem>>
        %dma_start3A_161 = tpu.memref_squeeze %dma_start3A_160 : memref<1x!tpu.dma_semaphore, #tpu.memory_space<semaphore_mem>> -> memref<!tpu.dma_semaphore, #tpu.memory_space<semaphore_mem>>
        tpu.enqueue_indirect_dma source(%dma_start3A_159 : memref<1048576xf32, #tpu.memory_space<vmem_shared>>) target(%arg12 : memref<8192xf32, #tpu.memory_space<vmem>>) offsets(%arg8 : memref<8192xi32, #tpu.memory_space<vmem>>) semaphore(%dma_start3A_161 : memref<!tpu.dma_semaphore, #tpu.memory_space<semaphore_mem>>)
      } else {
      }
      %scan3A_81 = arith.constant 0 : i32
      %scan3A_82 = arith.constant 0 : i32
      %scan3A_83 = arith.constant 512 : i32
      %scan3A_84 = arith.addi %scan3A_82, %scan3A_83 : i32
      %scan3A_85 = arith.constant 16 : i32
      scf.for %scan3A_139 = %scan3A_82 to %scan3A_84 step %scan3A_85  : i32 {
        %mul3A_140 = arith.constant 16 : i32
        %mul3A_141 = arith.muli %scan3A_139, %mul3A_140 : i32
        %get3A = arith.index_cast %mul3A_141 : i32 to index
        %get3A_142 = tpu.vector_load %arg11[%get3A] {strides = array<i32>} : memref<8192xf32, #tpu.memory_space<vmem>>, vector<16xf32>,
        %get3A_143 = vector.shape_cast %get3A_142 : vector<16xf32> to vector<16xf32>
        %get3A_144 = arith.index_cast %mul3A_141 : i32 to index
        %get3A_145 = tpu.vector_load %arg9[%get3A_144] {strides = array<i32>} : memref<8192xf32, #tpu.memory_space<vmem>>, vector<16xf32>,
        %get3A_146 = vector.shape_cast %get3A_145 : vector<16xf32> to vector<16xf32>
        %mul3A_147 = arith.mulf %get3A_143, %get3A_146 : vector<16xf32>
        %swap3A = arith.index_cast %mul3A_141 : i32 to index
        %swap3A_148 = tpu.vector_load %arg11[%swap3A] {strides = array<i32>} : memref<8192xf32, #tpu.memory_space<vmem>>, vector<16xf32>,
        %swap3A_149 = vector.shape_cast %swap3A_148 : vector<16xf32> to vector<16xf32>
        %swap3A_150 = vector.shape_cast %mul3A_147 : vector<16xf32> to vector<16xf32>
        tpu.vector_store %arg11[%swap3A], %swap3A_150 {strides = array<i32>} : memref<8192xf32, #tpu.memory_space<vmem>>, vector<16xf32>,
        %scan3A_151 = arith.constant 1 : i32
        %scan3A_152 = arith.addi %scan3A_139, %scan3A_151 : i32
        %mul3A_153 = arith.constant 16 : i32
        %mul3A_154 = arith.muli %scan3A_152, %mul3A_153 : i32
        %get3A_155 = arith.index_cast %mul3A_154 : i32 to index
        %get3A_156 = tpu.vector_load %arg11[%get3A_155] {strides = array<i32>} : memref<8192xf32, #tpu.memory_space<vmem>>, vector<16xf32>,
        %get3A_157 = vector.shape_cast %get3A_156 : vector<16xf32> to vector<16xf32>
        %get3A_158 = arith.index_cast %mul3A_154 : i32 to index
        %get3A_159 = tpu.vector_load %arg9[%get3A_158] {strides = array<i32>} : memref<8192xf32, #tpu.memory_space<vmem>>, vector<16xf32>,
        %get3A_160 = vector.shape_cast %get3A_159 : vector<16xf32> to vector<16xf32>
        %mul3A_161 = arith.mulf %get3A_157, %get3A_160 : vector<16xf32>
        %swap3A_162 = arith.index_cast %mul3A_154 : i32 to index
        %swap3A_163 = tpu.vector_load %arg11[%swap3A_162] {strides = array<i32>} : memref<8192xf32, #tpu.memory_space<vmem>>, vector<16xf32>,
        %swap3A_164 = vector.shape_cast %swap3A_163 : vector<16xf32> to vector<16xf32>
        %swap3A_165 = vector.shape_cast %mul3A_161 : vector<16xf32> to vector<16xf32>
        tpu.vector_store %arg11[%swap3A_162], %swap3A_165 {strides = array<i32>} : memref<8192xf32, #tpu.memory_space<vmem>>, vector<16xf32>,
        %scan3A_166 = arith.constant 2 : i32
        %scan3A_167 = arith.addi %scan3A_139, %scan3A_166 : i32
        %mul3A_168 = arith.constant 16 : i32
        %mul3A_169 = arith.muli %scan3A_167, %mul3A_168 : i32
        %get3A_170 = arith.index_cast %mul3A_169 : i32 to index
        %get3A_171 = tpu.vector_load %arg11[%get3A_170] {strides = array<i32>} : memref<8192xf32, #tpu.memory_space<vmem>>, vector<16xf32>,
        %get3A_172 = vector.shape_cast %get3A_171 : vector<16xf32> to vector<16xf32>
        %get3A_173 = arith.index_cast %mul3A_169 : i32 to index
        %get3A_174 = tpu.vector_load %arg9[%get3A_173] {strides = array<i32>} : memref<8192xf32, #tpu.memory_space<vmem>>, vector<16xf32>,
        %get3A_175 = vector.shape_cast %get3A_174 : vector<16xf32> to vector<16xf32>
        %mul3A_176 = arith.mulf %get3A_172, %get3A_175 : vector<16xf32>
        %swap3A_177 = arith.index_cast %mul3A_169 : i32 to index
        %swap3A_178 = tpu.vector_load %arg11[%swap3A_177] {strides = array<i32>} : memref<8192xf32, #tpu.memory_space<vmem>>, vector<16xf32>,
        %swap3A_179 = vector.shape_cast %swap3A_178 : vector<16xf32> to vector<16xf32>
        %swap3A_180 = vector.shape_cast %mul3A_176 : vector<16xf32> to vector<16xf32>
        tpu.vector_store %arg11[%swap3A_177], %swap3A_180 {strides = array<i32>} : memref<8192xf32, #tpu.memory_space<vmem>>, vector<16xf32>,
        %scan3A_181 = arith.constant 3 : i32
        %scan3A_182 = arith.addi %scan3A_139, %scan3A_181 : i32
        %mul3A_183 = arith.constant 16 : i32
        %mul3A_184 = arith.muli %scan3A_182, %mul3A_183 : i32
        %get3A_185 = arith.index_cast %mul3A_184 : i32 to index
        %get3A_186 = tpu.vector_load %arg11[%get3A_185] {strides = array<i32>} : memref<8192xf32, #tpu.memory_space<vmem>>, vector<16xf32>,
        %get3A_187 = vector.shape_cast %get3A_186 : vector<16xf32> to vector<16xf32>
        %get3A_188 = arith.index_cast %mul3A_184 : i32 to index
        %get3A_189 = tpu.vector_load %arg9[%get3A_188] {strides = array<i32>} : memref<8192xf32, #tpu.memory_space<vmem>>, vector<16xf32>,
        %get3A_190 = vector.shape_cast %get3A_189 : vector<16xf32> to vector<16xf32>
        %mul3A_191 = arith.mulf %get3A_187, %get3A_190 : vector<16xf32>
        %swap3A_192 = arith.index_cast %mul3A_184 : i32 to index
        %swap3A_193 = tpu.vector_load %arg11[%swap3A_192] {strides = array<i32>} : memref<8192xf32, #tpu.memory_space<vmem>>, vector<16xf32>,
        %swap3A_194 = vector.shape_cast %swap3A_193 : vector<16xf32> to vector<16xf32>
        %swap3A_195 = vector.shape_cast %mul3A_191 : vector<16xf32> to vector<16xf32>
        tpu.vector_store %arg11[%swap3A_192], %swap3A_195 {strides = array<i32>} : memref<8192xf32, #tpu.memory_space<vmem>>, vector<16xf32>,
        %scan3A_196 = arith.constant 4 : i32
        %scan3A_197 = arith.addi %scan3A_139, %scan3A_196 : i32
        %mul3A_198 = arith.constant 16 : i32
        %mul3A_199 = arith.muli %scan3A_197, %mul3A_198 : i32
        %get3A_200 = arith.index_cast %mul3A_199 : i32 to index
        %get3A_201 = tpu.vector_load %arg11[%get3A_200] {strides = array<i32>} : memref<8192xf32, #tpu.memory_space<vmem>>, vector<16xf32>,
        %get3A_202 = vector.shape_cast %get3A_201 : vector<16xf32> to vector<16xf32>
        %get3A_203 = arith.index_cast %mul3A_199 : i32 to index
        %get3A_204 = tpu.vector_load %arg9[%get3A_203] {strides = array<i32>} : memref<8192xf32, #tpu.memory_space<vmem>>, vector<16xf32>,
        %get3A_205 = vector.shape_cast %get3A_204 : vector<16xf32> to vector<16xf32>
        %mul3A_206 = arith.mulf %get3A_202, %get3A_205 : vector<16xf32>
        %swap3A_207 = arith.index_cast %mul3A_199 : i32 to index
        %swap3A_208 = tpu.vector_load %arg11[%swap3A_207] {strides = array<i32>} : memref<8192xf32, #tpu.memory_space<vmem>>, vector<16xf32>,
        %swap3A_209 = vector.shape_cast %swap3A_208 : vector<16xf32> to vector<16xf32>
        %swap3A_210 = vector.shape_cast %mul3A_206 : vector<16xf32> to vector<16xf32>
        tpu.vector_store %arg11[%swap3A_207], %swap3A_210 {strides = array<i32>} : memref<8192xf32, #tpu.memory_space<vmem>>, vector<16xf32>,
        %scan3A_211 = arith.constant 5 : i32
        %scan3A_212 = arith.addi %scan3A_139, %scan3A_211 : i32
        %mul3A_213 = arith.constant 16 : i32
        %mul3A_214 = arith.muli %scan3A_212, %mul3A_213 : i32
        %get3A_215 = arith.index_cast %mul3A_214 : i32 to index
        %get3A_216 = tpu.vector_load %arg11[%get3A_215] {strides = array<i32>} : memref<8192xf32, #tpu.memory_space<vmem>>, vector<16xf32>,
        %get3A_217 = vector.shape_cast %get3A_216 : vector<16xf32> to vector<16xf32>
        %get3A_218 = arith.index_cast %mul3A_214 : i32 to index
        %get3A_219 = tpu.vector_load %arg9[%get3A_218] {strides = array<i32>} : memref<8192xf32, #tpu.memory_space<vmem>>, vector<16xf32>,
        %get3A_220 = vector.shape_cast %get3A_219 : vector<16xf32> to vector<16xf32>
        %mul3A_221 = arith.mulf %get3A_217, %get3A_220 : vector<16xf32>
        %swap3A_222 = arith.index_cast %mul3A_214 : i32 to index
        %swap3A_223 = tpu.vector_load %arg11[%swap3A_222] {strides = array<i32>} : memref<8192xf32, #tpu.memory_space<vmem>>, vector<16xf32>,
        %swap3A_224 = vector.shape_cast %swap3A_223 : vector<16xf32> to vector<16xf32>
        %swap3A_225 = vector.shape_cast %mul3A_221 : vector<16xf32> to vector<16xf32>
        tpu.vector_store %arg11[%swap3A_222], %swap3A_225 {strides = array<i32>} : memref<8192xf32, #tpu.memory_space<vmem>>, vector<16xf32>,
        %scan3A_226 = arith.constant 6 : i32
        %scan3A_227 = arith.addi %scan3A_139, %scan3A_226 : i32
        %mul3A_228 = arith.constant 16 : i32
        %mul3A_229 = arith.muli %scan3A_227, %mul3A_228 : i32
        %get3A_230 = arith.index_cast %mul3A_229 : i32 to index
        %get3A_231 = tpu.vector_load %arg11[%get3A_230] {strides = array<i32>} : memref<8192xf32, #tpu.memory_space<vmem>>, vector<16xf32>,
        %get3A_232 = vector.shape_cast %get3A_231 : vector<16xf32> to vector<16xf32>
        %get3A_233 = arith.index_cast %mul3A_229 : i32 to index
        %get3A_234 = tpu.vector_load %arg9[%get3A_233] {strides = array<i32>} : memref<8192xf32, #tpu.memory_space<vmem>>, vector<16xf32>,
        %get3A_235 = vector.shape_cast %get3A_234 : vector<16xf32> to vector<16xf32>
        %mul3A_236 = arith.mulf %get3A_232, %get3A_235 : vector<16xf32>
        %swap3A_237 = arith.index_cast %mul3A_229 : i32 to index
        %swap3A_238 = tpu.vector_load %arg11[%swap3A_237] {strides = array<i32>} : memref<8192xf32, #tpu.memory_space<vmem>>, vector<16xf32>,
        %swap3A_239 = vector.shape_cast %swap3A_238 : vector<16xf32> to vector<16xf32>
        %swap3A_240 = vector.shape_cast %mul3A_236 : vector<16xf32> to vector<16xf32>
        tpu.vector_store %arg11[%swap3A_237], %swap3A_240 {strides = array<i32>} : memref<8192xf32, #tpu.memory_space<vmem>>, vector<16xf32>,
        %scan3A_241 = arith.constant 7 : i32
        %scan3A_242 = arith.addi %scan3A_139, %scan3A_241 : i32
        %mul3A_243 = arith.constant 16 : i32
        %mul3A_244 = arith.muli %scan3A_242, %mul3A_243 : i32
        %get3A_245 = arith.index_cast %mul3A_244 : i32 to index
        %get3A_246 = tpu.vector_load %arg11[%get3A_245] {strides = array<i32>} : memref<8192xf32, #tpu.memory_space<vmem>>, vector<16xf32>,
        %get3A_247 = vector.shape_cast %get3A_246 : vector<16xf32> to vector<16xf32>
        %get3A_248 = arith.index_cast %mul3A_244 : i32 to index
        %get3A_249 = tpu.vector_load %arg9[%get3A_248] {strides = array<i32>} : memref<8192xf32, #tpu.memory_space<vmem>>, vector<16xf32>,
        %get3A_250 = vector.shape_cast %get3A_249 : vector<16xf32> to vector<16xf32>
        %mul3A_251 = arith.mulf %get3A_247, %get3A_250 : vector<16xf32>
        %swap3A_252 = arith.index_cast %mul3A_244 : i32 to index
        %swap3A_253 = tpu.vector_load %arg11[%swap3A_252] {strides = array<i32>} : memref<8192xf32, #tpu.memory_space<vmem>>, vector<16xf32>,
        %swap3A_254 = vector.shape_cast %swap3A_253 : vector<16xf32> to vector<16xf32>
        %swap3A_255 = vector.shape_cast %mul3A_251 : vector<16xf32> to vector<16xf32>
        tpu.vector_store %arg11[%swap3A_252], %swap3A_255 {strides = array<i32>} : memref<8192xf32, #tpu.memory_space<vmem>>, vector<16xf32>,
        %scan3A_256 = arith.constant 8 : i32
        %scan3A_257 = arith.addi %scan3A_139, %scan3A_256 : i32
        %mul3A_258 = arith.constant 16 : i32
        %mul3A_259 = arith.muli %scan3A_257, %mul3A_258 : i32
        %get3A_260 = arith.index_cast %mul3A_259 : i32 to index
        %get3A_261 = tpu.vector_load %arg11[%get3A_260] {strides = array<i32>} : memref<8192xf32, #tpu.memory_space<vmem>>, vector<16xf32>,
        %get3A_262 = vector.shape_cast %get3A_261 : vector<16xf32> to vector<16xf32>
        %get3A_263 = arith.index_cast %mul3A_259 : i32 to index
        %get3A_264 = tpu.vector_load %arg9[%get3A_263] {strides = array<i32>} : memref<8192xf32, #tpu.memory_space<vmem>>, vector<16xf32>,
        %get3A_265 = vector.shape_cast %get3A_264 : vector<16xf32> to vector<16xf32>
        %mul3A_266 = arith.mulf %get3A_262, %get3A_265 : vector<16xf32>
        %swap3A_267 = arith.index_cast %mul3A_259 : i32 to index
        %swap3A_268 = tpu.vector_load %arg11[%swap3A_267] {strides = array<i32>} : memref<8192xf32, #tpu.memory_space<vmem>>, vector<16xf32>,
        %swap3A_269 = vector.shape_cast %swap3A_268 : vector<16xf32> to vector<16xf32>
        %swap3A_270 = vector.shape_cast %mul3A_266 : vector<16xf32> to vector<16xf32>
        tpu.vector_store %arg11[%swap3A_267], %swap3A_270 {strides = array<i32>} : memref<8192xf32, #tpu.memory_space<vmem>>, vector<16xf32>,
        %scan3A_271 = arith.constant 9 : i32
        %scan3A_272 = arith.addi %scan3A_139, %scan3A_271 : i32
        %mul3A_273 = arith.constant 16 : i32
        %mul3A_274 = arith.muli %scan3A_272, %mul3A_273 : i32
        %get3A_275 = arith.index_cast %mul3A_274 : i32 to index
        %get3A_276 = tpu.vector_load %arg11[%get3A_275] {strides = array<i32>} : memref<8192xf32, #tpu.memory_space<vmem>>, vector<16xf32>,
        %get3A_277 = vector.shape_cast %get3A_276 : vector<16xf32> to vector<16xf32>
        %get3A_278 = arith.index_cast %mul3A_274 : i32 to index
        %get3A_279 = tpu.vector_load %arg9[%get3A_278] {strides = array<i32>} : memref<8192xf32, #tpu.memory_space<vmem>>, vector<16xf32>,
        %get3A_280 = vector.shape_cast %get3A_279 : vector<16xf32> to vector<16xf32>
        %mul3A_281 = arith.mulf %get3A_277, %get3A_280 : vector<16xf32>
        %swap3A_282 = arith.index_cast %mul3A_274 : i32 to index
        %swap3A_283 = tpu.vector_load %arg11[%swap3A_282] {strides = array<i32>} : memref<8192xf32, #tpu.memory_space<vmem>>, vector<16xf32>,
        %swap3A_284 = vector.shape_cast %swap3A_283 : vector<16xf32> to vector<16xf32>
        %swap3A_285 = vector.shape_cast %mul3A_281 : vector<16xf32> to vector<16xf32>
        tpu.vector_store %arg11[%swap3A_282], %swap3A_285 {strides = array<i32>} : memref<8192xf32, #tpu.memory_space<vmem>>, vector<16xf32>,
        %scan3A_286 = arith.constant 10 : i32
        %scan3A_287 = arith.addi %scan3A_139, %scan3A_286 : i32
        %mul3A_288 = arith.constant 16 : i32
        %mul3A_289 = arith.muli %scan3A_287, %mul3A_288 : i32
        %get3A_290 = arith.index_cast %mul3A_289 : i32 to index
        %get3A_291 = tpu.vector_load %arg11[%get3A_290] {strides = array<i32>} : memref<8192xf32, #tpu.memory_space<vmem>>, vector<16xf32>,
        %get3A_292 = vector.shape_cast %get3A_291 : vector<16xf32> to vector<16xf32>
        %get3A_293 = arith.index_cast %mul3A_289 : i32 to index
        %get3A_294 = tpu.vector_load %arg9[%get3A_293] {strides = array<i32>} : memref<8192xf32, #tpu.memory_space<vmem>>, vector<16xf32>,
        %get3A_295 = vector.shape_cast %get3A_294 : vector<16xf32> to vector<16xf32>
        %mul3A_296 = arith.mulf %get3A_292, %get3A_295 : vector<16xf32>
        %swap3A_297 = arith.index_cast %mul3A_289 : i32 to index
        %swap3A_298 = tpu.vector_load %arg11[%swap3A_297] {strides = array<i32>} : memref<8192xf32, #tpu.memory_space<vmem>>, vector<16xf32>,
        %swap3A_299 = vector.shape_cast %swap3A_298 : vector<16xf32> to vector<16xf32>
        %swap3A_300 = vector.shape_cast %mul3A_296 : vector<16xf32> to vector<16xf32>
        tpu.vector_store %arg11[%swap3A_297], %swap3A_300 {strides = array<i32>} : memref<8192xf32, #tpu.memory_space<vmem>>, vector<16xf32>,
        %scan3A_301 = arith.constant 11 : i32
        %scan3A_302 = arith.addi %scan3A_139, %scan3A_301 : i32
        %mul3A_303 = arith.constant 16 : i32
        %mul3A_304 = arith.muli %scan3A_302, %mul3A_303 : i32
        %get3A_305 = arith.index_cast %mul3A_304 : i32 to index
        %get3A_306 = tpu.vector_load %arg11[%get3A_305] {strides = array<i32>} : memref<8192xf32, #tpu.memory_space<vmem>>, vector<16xf32>,
        %get3A_307 = vector.shape_cast %get3A_306 : vector<16xf32> to vector<16xf32>
        %get3A_308 = arith.index_cast %mul3A_304 : i32 to index
        %get3A_309 = tpu.vector_load %arg9[%get3A_308] {strides = array<i32>} : memref<8192xf32, #tpu.memory_space<vmem>>, vector<16xf32>,
        %get3A_310 = vector.shape_cast %get3A_309 : vector<16xf32> to vector<16xf32>
        %mul3A_311 = arith.mulf %get3A_307, %get3A_310 : vector<16xf32>
        %swap3A_312 = arith.index_cast %mul3A_304 : i32 to index
        %swap3A_313 = tpu.vector_load %arg11[%swap3A_312] {strides = array<i32>} : memref<8192xf32, #tpu.memory_space<vmem>>, vector<16xf32>,
        %swap3A_314 = vector.shape_cast %swap3A_313 : vector<16xf32> to vector<16xf32>
        %swap3A_315 = vector.shape_cast %mul3A_311 : vector<16xf32> to vector<16xf32>
        tpu.vector_store %arg11[%swap3A_312], %swap3A_315 {strides = array<i32>} : memref<8192xf32, #tpu.memory_space<vmem>>, vector<16xf32>,
        %scan3A_316 = arith.constant 12 : i32
        %scan3A_317 = arith.addi %scan3A_139, %scan3A_316 : i32
        %mul3A_318 = arith.constant 16 : i32
        %mul3A_319 = arith.muli %scan3A_317, %mul3A_318 : i32
        %get3A_320 = arith.index_cast %mul3A_319 : i32 to index
        %get3A_321 = tpu.vector_load %arg11[%get3A_320] {strides = array<i32>} : memref<8192xf32, #tpu.memory_space<vmem>>, vector<16xf32>,
        %get3A_322 = vector.shape_cast %get3A_321 : vector<16xf32> to vector<16xf32>
        %get3A_323 = arith.index_cast %mul3A_319 : i32 to index
        %get3A_324 = tpu.vector_load %arg9[%get3A_323] {strides = array<i32>} : memref<8192xf32, #tpu.memory_space<vmem>>, vector<16xf32>,
        %get3A_325 = vector.shape_cast %get3A_324 : vector<16xf32> to vector<16xf32>
        %mul3A_326 = arith.mulf %get3A_322, %get3A_325 : vector<16xf32>
        %swap3A_327 = arith.index_cast %mul3A_319 : i32 to index
        %swap3A_328 = tpu.vector_load %arg11[%swap3A_327] {strides = array<i32>} : memref<8192xf32, #tpu.memory_space<vmem>>, vector<16xf32>,
        %swap3A_329 = vector.shape_cast %swap3A_328 : vector<16xf32> to vector<16xf32>
        %swap3A_330 = vector.shape_cast %mul3A_326 : vector<16xf32> to vector<16xf32>
        tpu.vector_store %arg11[%swap3A_327], %swap3A_330 {strides = array<i32>} : memref<8192xf32, #tpu.memory_space<vmem>>, vector<16xf32>,
        %scan3A_331 = arith.constant 13 : i32
        %scan3A_332 = arith.addi %scan3A_139, %scan3A_331 : i32
        %mul3A_333 = arith.constant 16 : i32
        %mul3A_334 = arith.muli %scan3A_332, %mul3A_333 : i32
        %get3A_335 = arith.index_cast %mul3A_334 : i32 to index
        %get3A_336 = tpu.vector_load %arg11[%get3A_335] {strides = array<i32>} : memref<8192xf32, #tpu.memory_space<vmem>>, vector<16xf32>,
        %get3A_337 = vector.shape_cast %get3A_336 : vector<16xf32> to vector<16xf32>
        %get3A_338 = arith.index_cast %mul3A_334 : i32 to index
        %get3A_339 = tpu.vector_load %arg9[%get3A_338] {strides = array<i32>} : memref<8192xf32, #tpu.memory_space<vmem>>, vector<16xf32>,
        %get3A_340 = vector.shape_cast %get3A_339 : vector<16xf32> to vector<16xf32>
        %mul3A_341 = arith.mulf %get3A_337, %get3A_340 : vector<16xf32>
        %swap3A_342 = arith.index_cast %mul3A_334 : i32 to index
        %swap3A_343 = tpu.vector_load %arg11[%swap3A_342] {strides = array<i32>} : memref<8192xf32, #tpu.memory_space<vmem>>, vector<16xf32>,
        %swap3A_344 = vector.shape_cast %swap3A_343 : vector<16xf32> to vector<16xf32>
        %swap3A_345 = vector.shape_cast %mul3A_341 : vector<16xf32> to vector<16xf32>
        tpu.vector_store %arg11[%swap3A_342], %swap3A_345 {strides = array<i32>} : memref<8192xf32, #tpu.memory_space<vmem>>, vector<16xf32>,
        %scan3A_346 = arith.constant 14 : i32
        %scan3A_347 = arith.addi %scan3A_139, %scan3A_346 : i32
        %mul3A_348 = arith.constant 16 : i32
        %mul3A_349 = arith.muli %scan3A_347, %mul3A_348 : i32
        %get3A_350 = arith.index_cast %mul3A_349 : i32 to index
        %get3A_351 = tpu.vector_load %arg11[%get3A_350] {strides = array<i32>} : memref<8192xf32, #tpu.memory_space<vmem>>, vector<16xf32>,
        %get3A_352 = vector.shape_cast %get3A_351 : vector<16xf32> to vector<16xf32>
        %get3A_353 = arith.index_cast %mul3A_349 : i32 to index
        %get3A_354 = tpu.vector_load %arg9[%get3A_353] {strides = array<i32>} : memref<8192xf32, #tpu.memory_space<vmem>>, vector<16xf32>,
        %get3A_355 = vector.shape_cast %get3A_354 : vector<16xf32> to vector<16xf32>
        %mul3A_356 = arith.mulf %get3A_352, %get3A_355 : vector<16xf32>
        %swap3A_357 = arith.index_cast %mul3A_349 : i32 to index
        %swap3A_358 = tpu.vector_load %arg11[%swap3A_357] {strides = array<i32>} : memref<8192xf32, #tpu.memory_space<vmem>>, vector<16xf32>,
        %swap3A_359 = vector.shape_cast %swap3A_358 : vector<16xf32> to vector<16xf32>
        %swap3A_360 = vector.shape_cast %mul3A_356 : vector<16xf32> to vector<16xf32>
        tpu.vector_store %arg11[%swap3A_357], %swap3A_360 {strides = array<i32>} : memref<8192xf32, #tpu.memory_space<vmem>>, vector<16xf32>,
        %scan3A_361 = arith.constant 15 : i32
        %scan3A_362 = arith.addi %scan3A_139, %scan3A_361 : i32
        %mul3A_363 = arith.constant 16 : i32
        %mul3A_364 = arith.muli %scan3A_362, %mul3A_363 : i32
        %get3A_365 = arith.index_cast %mul3A_364 : i32 to index
        %get3A_366 = tpu.vector_load %arg11[%get3A_365] {strides = array<i32>} : memref<8192xf32, #tpu.memory_space<vmem>>, vector<16xf32>,
        %get3A_367 = vector.shape_cast %get3A_366 : vector<16xf32> to vector<16xf32>
        %get3A_368 = arith.index_cast %mul3A_364 : i32 to index
        %get3A_369 = tpu.vector_load %arg9[%get3A_368] {strides = array<i32>} : memref<8192xf32, #tpu.memory_space<vmem>>, vector<16xf32>,
        %get3A_370 = vector.shape_cast %get3A_369 : vector<16xf32> to vector<16xf32>
        %mul3A_371 = arith.mulf %get3A_367, %get3A_370 : vector<16xf32>
        %swap3A_372 = arith.index_cast %mul3A_364 : i32 to index
        %swap3A_373 = tpu.vector_load %arg11[%swap3A_372] {strides = array<i32>} : memref<8192xf32, #tpu.memory_space<vmem>>, vector<16xf32>,
        %swap3A_374 = vector.shape_cast %swap3A_373 : vector<16xf32> to vector<16xf32>
        %swap3A_375 = vector.shape_cast %mul3A_371 : vector<16xf32> to vector<16xf32>
        tpu.vector_store %arg11[%swap3A_372], %swap3A_375 {strides = array<i32>} : memref<8192xf32, #tpu.memory_space<vmem>>, vector<16xf32>,
      }
      %scan3A_86 = arith.constant 512 : i32
      %mul3A_87 = arith.constant 8192 : i32
      %mul3A_88 = arith.muli %add3A_71, %mul3A_87 : i32
      %add3A_89 = arith.addi %mul3A_2, %mul3A_88 : i32
      %dma_start3A_90 = arith.constant 0 : i32
      %dma_start3A_91 = tpu.memref_slice %arg5[%add3A_89] : memref<16777216xf32, #tpu.memory_space<hbm>> -> memref<8192xf32, #tpu.memory_space<hbm>>
      %dma_start3A_92 = tpu.memref_slice %arg16[%dma_start3A_90] : memref<2x!tpu.dma_semaphore, #tpu.memory_space<semaphore_mem>> -> memref<1x!tpu.dma_semaphore, #tpu.memory_space<semaphore_mem>>
      %dma_start3A_93 = tpu.memref_squeeze %dma_start3A_92 : memref<1x!tpu.dma_semaphore, #tpu.memory_space<semaphore_mem>> -> memref<!tpu.dma_semaphore, #tpu.memory_space<semaphore_mem>>
      %dma_start3A_94 = tpu.memref_slice %arg5[%add3A_89] : memref<16777216xf32, #tpu.memory_space<hbm>> -> memref<8192xf32, #tpu.memory_space<hbm>>
      tpu.enqueue_dma source(%arg11 : memref<8192xf32, #tpu.memory_space<vmem>>) target(%dma_start3A_94 : memref<8192xf32, #tpu.memory_space<hbm>>) target_semaphore(%dma_start3A_93 : memref<!tpu.dma_semaphore, #tpu.memory_space<semaphore_mem>>)
      %add3A_95 = arith.constant 2 : i32
      %add3A_96 = arith.addi %add3A_71, %add3A_95 : i32
      %lt3A_97 = arith.constant 64 : i32
      %lt3A_98 = arith.cmpi slt, %add3A_96, %lt3A_97 : i32
      %convert_element_type3A_99 = arith.extui %lt3A_98 : i1 to i32
      %cond3A_100 = arith.constant 0 : i32
      %cond3A_101 = arith.cmpi ne, %convert_element_type3A_99, %cond3A_100 : i32
      scf.if %cond3A_101 {
        %add3A_139 = arith.constant 2 : i32
        %add3A_140 = arith.addi %add3A_71, %add3A_139 : i32
        %mul3A_141 = arith.constant 8192 : i32
        %mul3A_142 = arith.muli %add3A_140, %mul3A_141 : i32
        %add3A_143 = arith.addi %mul3A_2, %mul3A_142 : i32
        %dma_start3A_144 = arith.constant 0 : i32
        %dma_start3A_145 = tpu.memref_slice %arg4[%add3A_143] : memref<16777216xi32, #tpu.memory_space<hbm>> -> memref<8192xi32, #tpu.memory_space<hbm>>
        %dma_start3A_146 = tpu.memref_slice %arg13[%dma_start3A_144] : memref<2x!tpu.dma_semaphore, #tpu.memory_space<semaphore_mem>> -> memref<1x!tpu.dma_semaphore, #tpu.memory_space<semaphore_mem>>
        %dma_start3A_147 = tpu.memref_squeeze %dma_start3A_146 : memref<1x!tpu.dma_semaphore, #tpu.memory_space<semaphore_mem>> -> memref<!tpu.dma_semaphore, #tpu.memory_space<semaphore_mem>>
        %dma_start3A_148 = tpu.memref_slice %arg4[%add3A_143] : memref<16777216xi32, #tpu.memory_space<hbm>> -> memref<8192xi32, #tpu.memory_space<hbm>>
        tpu.enqueue_dma source(%dma_start3A_148 : memref<8192xi32, #tpu.memory_space<hbm>>) target(%arg7 : memref<8192xi32, #tpu.memory_space<vmem>>) target_semaphore(%dma_start3A_147 : memref<!tpu.dma_semaphore, #tpu.memory_space<semaphore_mem>>)
        %dma_start3A_149 = arith.constant 0 : i32
        %dma_start3A_150 = tpu.memref_slice %arg3[%add3A_143] : memref<16777216xf32, #tpu.memory_space<hbm>> -> memref<8192xf32, #tpu.memory_space<hbm>>
        %dma_start3A_151 = tpu.memref_slice %arg14[%dma_start3A_149] : memref<2x!tpu.dma_semaphore, #tpu.memory_space<semaphore_mem>> -> memref<1x!tpu.dma_semaphore, #tpu.memory_space<semaphore_mem>>
        %dma_start3A_152 = tpu.memref_squeeze %dma_start3A_151 : memref<1x!tpu.dma_semaphore, #tpu.memory_space<semaphore_mem>> -> memref<!tpu.dma_semaphore, #tpu.memory_space<semaphore_mem>>
        %dma_start3A_153 = tpu.memref_slice %arg3[%add3A_143] : memref<16777216xf32, #tpu.memory_space<hbm>> -> memref<8192xf32, #tpu.memory_space<hbm>>
        tpu.enqueue_dma source(%dma_start3A_153 : memref<8192xf32, #tpu.memory_space<hbm>>) target(%arg9 : memref<8192xf32, #tpu.memory_space<vmem>>) target_semaphore(%dma_start3A_152 : memref<!tpu.dma_semaphore, #tpu.memory_space<semaphore_mem>>)
      } else {
      }
      %mul3A_102 = arith.constant 2 : i32
      %mul3A_103 = arith.muli %mul3A_102, %scan3A_67 : i32
      %add3A_104 = arith.constant 1 : i32
      %add3A_105 = arith.addi %mul3A_103, %add3A_104 : i32
      %dma_wait3A_106 = arith.constant 1 : i32
      %dma_wait3A_107 = arith.constant 0 : i32
      %dma_wait3A_108 = tpu.memref_slice %arg6[%dma_wait3A_107] : memref<1048576xf32, #tpu.memory_space<vmem_shared>> -> memref<1048576xf32, #tpu.memory_space<vmem_shared>>
      %dma_wait3A_109 = tpu.memref_slice %arg15[%dma_wait3A_106] : memref<2x!tpu.dma_semaphore, #tpu.memory_space<semaphore_mem>> -> memref<1x!tpu.dma_semaphore, #tpu.memory_space<semaphore_mem>>
      %dma_wait3A_110 = tpu.memref_squeeze %dma_wait3A_109 : memref<1x!tpu.dma_semaphore, #tpu.memory_space<semaphore_mem>> -> memref<!tpu.dma_semaphore, #tpu.memory_space<semaphore_mem>>
      tpu.wait_indirect_dma semaphore(%dma_wait3A_110 : memref<!tpu.dma_semaphore, #tpu.memory_space<semaphore_mem>>) src(%dma_wait3A_108 : memref<1048576xf32, #tpu.memory_space<vmem_shared>>) dst(%arg12 : memref<8192xf32, #tpu.memory_space<vmem>>)
      %add3A_111 = arith.constant 1 : i32
      %add3A_112 = arith.addi %add3A_105, %add3A_111 : i32
      %lt3A_113 = arith.constant 64 : i32
      %lt3A_114 = arith.cmpi slt, %add3A_112, %lt3A_113 : i32
      %convert_element_type3A_115 = arith.extui %lt3A_114 : i1 to i32
      %cond3A_116 = arith.constant 0 : i32
      %cond3A_117 = arith.cmpi ne, %convert_element_type3A_115, %cond3A_116 : i32
      scf.if %cond3A_117 {
        %dma_wait3A_139 = arith.constant 0 : i32
        %dma_wait3A_140 = arith.constant 0 : i32
        %dma_wait3A_141 = tpu.memref_slice %arg4[%dma_wait3A_140] : memref<16777216xi32, #tpu.memory_space<hbm>> -> memref<8192xi32, #tpu.memory_space<hbm>>
        %dma_wait3A_142 = tpu.memref_slice %arg13[%dma_wait3A_139] : memref<2x!tpu.dma_semaphore, #tpu.memory_space<semaphore_mem>> -> memref<1x!tpu.dma_semaphore, #tpu.memory_space<semaphore_mem>>
        %dma_wait3A_143 = tpu.memref_squeeze %dma_wait3A_142 : memref<1x!tpu.dma_semaphore, #tpu.memory_space<semaphore_mem>> -> memref<!tpu.dma_semaphore, #tpu.memory_space<semaphore_mem>>
        %dma_wait3A_144 = arith.constant 0 : i32
        %dma_wait3A_145 = tpu.memref_slice %arg4[%dma_wait3A_144] : memref<16777216xi32, #tpu.memory_space<hbm>> -> memref<8192xi32, #tpu.memory_space<hbm>>
        tpu.wait_dma2 semaphore(%dma_wait3A_143 : memref<!tpu.dma_semaphore, #tpu.memory_space<semaphore_mem>>) src(%dma_wait3A_145 : memref<8192xi32, #tpu.memory_space<hbm>>) dst(%arg7 : memref<8192xi32, #tpu.memory_space<vmem>>)
        %dma_wait3A_146 = arith.constant 0 : i32
        %dma_wait3A_147 = arith.constant 0 : i32
        %dma_wait3A_148 = tpu.memref_slice %arg3[%dma_wait3A_147] : memref<16777216xf32, #tpu.memory_space<hbm>> -> memref<8192xf32, #tpu.memory_space<hbm>>
        %dma_wait3A_149 = tpu.memref_slice %arg14[%dma_wait3A_146] : memref<2x!tpu.dma_semaphore, #tpu.memory_space<semaphore_mem>> -> memref<1x!tpu.dma_semaphore, #tpu.memory_space<semaphore_mem>>
        %dma_wait3A_150 = tpu.memref_squeeze %dma_wait3A_149 : memref<1x!tpu.dma_semaphore, #tpu.memory_space<semaphore_mem>> -> memref<!tpu.dma_semaphore, #tpu.memory_space<semaphore_mem>>
        %dma_wait3A_151 = arith.constant 0 : i32
        %dma_wait3A_152 = tpu.memref_slice %arg3[%dma_wait3A_151] : memref<16777216xf32, #tpu.memory_space<hbm>> -> memref<8192xf32, #tpu.memory_space<hbm>>
        tpu.wait_dma2 semaphore(%dma_wait3A_150 : memref<!tpu.dma_semaphore, #tpu.memory_space<semaphore_mem>>) src(%dma_wait3A_152 : memref<8192xf32, #tpu.memory_space<hbm>>) dst(%arg9 : memref<8192xf32, #tpu.memory_space<vmem>>)
        %ge3A = arith.constant 1 : i32
        %ge3A_153 = arith.cmpi sge, %add3A_105, %ge3A : i32
        %convert_element_type3A_154 = arith.extui %ge3A_153 : i1 to i32
        %cond3A_155 = arith.constant 0 : i32
        %cond3A_156 = arith.cmpi ne, %convert_element_type3A_154, %cond3A_155 : i32
        scf.if %cond3A_156 {
          %dma_wait3A_162 = arith.constant 0 : i32
          %dma_wait3A_163 = arith.constant 0 : i32
          %dma_wait3A_164 = tpu.memref_slice %arg5[%dma_wait3A_163] : memref<16777216xf32, #tpu.memory_space<hbm>> -> memref<8192xf32, #tpu.memory_space<hbm>>
          %dma_wait3A_165 = tpu.memref_slice %arg16[%dma_wait3A_162] : memref<2x!tpu.dma_semaphore, #tpu.memory_space<semaphore_mem>> -> memref<1x!tpu.dma_semaphore, #tpu.memory_space<semaphore_mem>>
          %dma_wait3A_166 = tpu.memref_squeeze %dma_wait3A_165 : memref<1x!tpu.dma_semaphore, #tpu.memory_space<semaphore_mem>> -> memref<!tpu.dma_semaphore, #tpu.memory_space<semaphore_mem>>
          %dma_wait3A_167 = arith.constant 0 : i32
          %dma_wait3A_168 = tpu.memref_slice %arg5[%dma_wait3A_167] : memref<16777216xf32, #tpu.memory_space<hbm>> -> memref<8192xf32, #tpu.memory_space<hbm>>
          tpu.wait_dma2 semaphore(%dma_wait3A_166 : memref<!tpu.dma_semaphore, #tpu.memory_space<semaphore_mem>>) src(%arg11 : memref<8192xf32, #tpu.memory_space<vmem>>) dst(%dma_wait3A_168 : memref<8192xf32, #tpu.memory_space<hbm>>)
        } else {
        }
        %dma_start3A_157 = arith.constant 0 : i32
        %dma_start3A_158 = arith.constant 0 : i32
        %dma_start3A_159 = tpu.memref_slice %arg6[%dma_start3A_158] : memref<1048576xf32, #tpu.memory_space<vmem_shared>> -> memref<1048576xf32, #tpu.memory_space<vmem_shared>>
        %dma_start3A_160 = tpu.memref_slice %arg15[%dma_start3A_157] : memref<2x!tpu.dma_semaphore, #tpu.memory_space<semaphore_mem>> -> memref<1x!tpu.dma_semaphore, #tpu.memory_space<semaphore_mem>>
        %dma_start3A_161 = tpu.memref_squeeze %dma_start3A_160 : memref<1x!tpu.dma_semaphore, #tpu.memory_space<semaphore_mem>> -> memref<!tpu.dma_semaphore, #tpu.memory_space<semaphore_mem>>
        tpu.enqueue_indirect_dma source(%dma_start3A_159 : memref<1048576xf32, #tpu.memory_space<vmem_shared>>) target(%arg11 : memref<8192xf32, #tpu.memory_space<vmem>>) offsets(%arg7 : memref<8192xi32, #tpu.memory_space<vmem>>) semaphore(%dma_start3A_161 : memref<!tpu.dma_semaphore, #tpu.memory_space<semaphore_mem>>)
      } else {
      }
      %scan3A_118 = arith.constant 0 : i32
      %scan3A_119 = arith.constant 0 : i32
      %scan3A_120 = arith.constant 512 : i32
      %scan3A_121 = arith.addi %scan3A_119, %scan3A_120 : i32
      %scan3A_122 = arith.constant 16 : i32
      scf.for %scan3A_139 = %scan3A_119 to %scan3A_121 step %scan3A_122  : i32 {
        %mul3A_140 = arith.constant 16 : i32
        %mul3A_141 = arith.muli %scan3A_139, %mul3A_140 : i32
        %get3A = arith.index_cast %mul3A_141 : i32 to index
        %get3A_142 = tpu.vector_load %arg12[%get3A] {strides = array<i32>} : memref<8192xf32, #tpu.memory_space<vmem>>, vector<16xf32>,
        %get3A_143 = vector.shape_cast %get3A_142 : vector<16xf32> to vector<16xf32>
        %get3A_144 = arith.index_cast %mul3A_141 : i32 to index
        %get3A_145 = tpu.vector_load %arg10[%get3A_144] {strides = array<i32>} : memref<8192xf32, #tpu.memory_space<vmem>>, vector<16xf32>,
        %get3A_146 = vector.shape_cast %get3A_145 : vector<16xf32> to vector<16xf32>
        %mul3A_147 = arith.mulf %get3A_143, %get3A_146 : vector<16xf32>
        %swap3A = arith.index_cast %mul3A_141 : i32 to index
        %swap3A_148 = tpu.vector_load %arg12[%swap3A] {strides = array<i32>} : memref<8192xf32, #tpu.memory_space<vmem>>, vector<16xf32>,
        %swap3A_149 = vector.shape_cast %swap3A_148 : vector<16xf32> to vector<16xf32>
        %swap3A_150 = vector.shape_cast %mul3A_147 : vector<16xf32> to vector<16xf32>
        tpu.vector_store %arg12[%swap3A], %swap3A_150 {strides = array<i32>} : memref<8192xf32, #tpu.memory_space<vmem>>, vector<16xf32>,
        %scan3A_151 = arith.constant 1 : i32
        %scan3A_152 = arith.addi %scan3A_139, %scan3A_151 : i32
        %mul3A_153 = arith.constant 16 : i32
        %mul3A_154 = arith.muli %scan3A_152, %mul3A_153 : i32
        %get3A_155 = arith.index_cast %mul3A_154 : i32 to index
        %get3A_156 = tpu.vector_load %arg12[%get3A_155] {strides = array<i32>} : memref<8192xf32, #tpu.memory_space<vmem>>, vector<16xf32>,
        %get3A_157 = vector.shape_cast %get3A_156 : vector<16xf32> to vector<16xf32>
        %get3A_158 = arith.index_cast %mul3A_154 : i32 to index
        %get3A_159 = tpu.vector_load %arg10[%get3A_158] {strides = array<i32>} : memref<8192xf32, #tpu.memory_space<vmem>>, vector<16xf32>,
        %get3A_160 = vector.shape_cast %get3A_159 : vector<16xf32> to vector<16xf32>
        %mul3A_161 = arith.mulf %get3A_157, %get3A_160 : vector<16xf32>
        %swap3A_162 = arith.index_cast %mul3A_154 : i32 to index
        %swap3A_163 = tpu.vector_load %arg12[%swap3A_162] {strides = array<i32>} : memref<8192xf32, #tpu.memory_space<vmem>>, vector<16xf32>,
        %swap3A_164 = vector.shape_cast %swap3A_163 : vector<16xf32> to vector<16xf32>
        %swap3A_165 = vector.shape_cast %mul3A_161 : vector<16xf32> to vector<16xf32>
        tpu.vector_store %arg12[%swap3A_162], %swap3A_165 {strides = array<i32>} : memref<8192xf32, #tpu.memory_space<vmem>>, vector<16xf32>,
        %scan3A_166 = arith.constant 2 : i32
        %scan3A_167 = arith.addi %scan3A_139, %scan3A_166 : i32
        %mul3A_168 = arith.constant 16 : i32
        %mul3A_169 = arith.muli %scan3A_167, %mul3A_168 : i32
        %get3A_170 = arith.index_cast %mul3A_169 : i32 to index
        %get3A_171 = tpu.vector_load %arg12[%get3A_170] {strides = array<i32>} : memref<8192xf32, #tpu.memory_space<vmem>>, vector<16xf32>,
        %get3A_172 = vector.shape_cast %get3A_171 : vector<16xf32> to vector<16xf32>
        %get3A_173 = arith.index_cast %mul3A_169 : i32 to index
        %get3A_174 = tpu.vector_load %arg10[%get3A_173] {strides = array<i32>} : memref<8192xf32, #tpu.memory_space<vmem>>, vector<16xf32>,
        %get3A_175 = vector.shape_cast %get3A_174 : vector<16xf32> to vector<16xf32>
        %mul3A_176 = arith.mulf %get3A_172, %get3A_175 : vector<16xf32>
        %swap3A_177 = arith.index_cast %mul3A_169 : i32 to index
        %swap3A_178 = tpu.vector_load %arg12[%swap3A_177] {strides = array<i32>} : memref<8192xf32, #tpu.memory_space<vmem>>, vector<16xf32>,
        %swap3A_179 = vector.shape_cast %swap3A_178 : vector<16xf32> to vector<16xf32>
        %swap3A_180 = vector.shape_cast %mul3A_176 : vector<16xf32> to vector<16xf32>
        tpu.vector_store %arg12[%swap3A_177], %swap3A_180 {strides = array<i32>} : memref<8192xf32, #tpu.memory_space<vmem>>, vector<16xf32>,
        %scan3A_181 = arith.constant 3 : i32
        %scan3A_182 = arith.addi %scan3A_139, %scan3A_181 : i32
        %mul3A_183 = arith.constant 16 : i32
        %mul3A_184 = arith.muli %scan3A_182, %mul3A_183 : i32
        %get3A_185 = arith.index_cast %mul3A_184 : i32 to index
        %get3A_186 = tpu.vector_load %arg12[%get3A_185] {strides = array<i32>} : memref<8192xf32, #tpu.memory_space<vmem>>, vector<16xf32>,
        %get3A_187 = vector.shape_cast %get3A_186 : vector<16xf32> to vector<16xf32>
        %get3A_188 = arith.index_cast %mul3A_184 : i32 to index
        %get3A_189 = tpu.vector_load %arg10[%get3A_188] {strides = array<i32>} : memref<8192xf32, #tpu.memory_space<vmem>>, vector<16xf32>,
        %get3A_190 = vector.shape_cast %get3A_189 : vector<16xf32> to vector<16xf32>
        %mul3A_191 = arith.mulf %get3A_187, %get3A_190 : vector<16xf32>
        %swap3A_192 = arith.index_cast %mul3A_184 : i32 to index
        %swap3A_193 = tpu.vector_load %arg12[%swap3A_192] {strides = array<i32>} : memref<8192xf32, #tpu.memory_space<vmem>>, vector<16xf32>,
        %swap3A_194 = vector.shape_cast %swap3A_193 : vector<16xf32> to vector<16xf32>
        %swap3A_195 = vector.shape_cast %mul3A_191 : vector<16xf32> to vector<16xf32>
        tpu.vector_store %arg12[%swap3A_192], %swap3A_195 {strides = array<i32>} : memref<8192xf32, #tpu.memory_space<vmem>>, vector<16xf32>,
        %scan3A_196 = arith.constant 4 : i32
        %scan3A_197 = arith.addi %scan3A_139, %scan3A_196 : i32
        %mul3A_198 = arith.constant 16 : i32
        %mul3A_199 = arith.muli %scan3A_197, %mul3A_198 : i32
        %get3A_200 = arith.index_cast %mul3A_199 : i32 to index
        %get3A_201 = tpu.vector_load %arg12[%get3A_200] {strides = array<i32>} : memref<8192xf32, #tpu.memory_space<vmem>>, vector<16xf32>,
        %get3A_202 = vector.shape_cast %get3A_201 : vector<16xf32> to vector<16xf32>
        %get3A_203 = arith.index_cast %mul3A_199 : i32 to index
        %get3A_204 = tpu.vector_load %arg10[%get3A_203] {strides = array<i32>} : memref<8192xf32, #tpu.memory_space<vmem>>, vector<16xf32>,
        %get3A_205 = vector.shape_cast %get3A_204 : vector<16xf32> to vector<16xf32>
        %mul3A_206 = arith.mulf %get3A_202, %get3A_205 : vector<16xf32>
        %swap3A_207 = arith.index_cast %mul3A_199 : i32 to index
        %swap3A_208 = tpu.vector_load %arg12[%swap3A_207] {strides = array<i32>} : memref<8192xf32, #tpu.memory_space<vmem>>, vector<16xf32>,
        %swap3A_209 = vector.shape_cast %swap3A_208 : vector<16xf32> to vector<16xf32>
        %swap3A_210 = vector.shape_cast %mul3A_206 : vector<16xf32> to vector<16xf32>
        tpu.vector_store %arg12[%swap3A_207], %swap3A_210 {strides = array<i32>} : memref<8192xf32, #tpu.memory_space<vmem>>, vector<16xf32>,
        %scan3A_211 = arith.constant 5 : i32
        %scan3A_212 = arith.addi %scan3A_139, %scan3A_211 : i32
        %mul3A_213 = arith.constant 16 : i32
        %mul3A_214 = arith.muli %scan3A_212, %mul3A_213 : i32
        %get3A_215 = arith.index_cast %mul3A_214 : i32 to index
        %get3A_216 = tpu.vector_load %arg12[%get3A_215] {strides = array<i32>} : memref<8192xf32, #tpu.memory_space<vmem>>, vector<16xf32>,
        %get3A_217 = vector.shape_cast %get3A_216 : vector<16xf32> to vector<16xf32>
        %get3A_218 = arith.index_cast %mul3A_214 : i32 to index
        %get3A_219 = tpu.vector_load %arg10[%get3A_218] {strides = array<i32>} : memref<8192xf32, #tpu.memory_space<vmem>>, vector<16xf32>,
        %get3A_220 = vector.shape_cast %get3A_219 : vector<16xf32> to vector<16xf32>
        %mul3A_221 = arith.mulf %get3A_217, %get3A_220 : vector<16xf32>
        %swap3A_222 = arith.index_cast %mul3A_214 : i32 to index
        %swap3A_223 = tpu.vector_load %arg12[%swap3A_222] {strides = array<i32>} : memref<8192xf32, #tpu.memory_space<vmem>>, vector<16xf32>,
        %swap3A_224 = vector.shape_cast %swap3A_223 : vector<16xf32> to vector<16xf32>
        %swap3A_225 = vector.shape_cast %mul3A_221 : vector<16xf32> to vector<16xf32>
        tpu.vector_store %arg12[%swap3A_222], %swap3A_225 {strides = array<i32>} : memref<8192xf32, #tpu.memory_space<vmem>>, vector<16xf32>,
        %scan3A_226 = arith.constant 6 : i32
        %scan3A_227 = arith.addi %scan3A_139, %scan3A_226 : i32
        %mul3A_228 = arith.constant 16 : i32
        %mul3A_229 = arith.muli %scan3A_227, %mul3A_228 : i32
        %get3A_230 = arith.index_cast %mul3A_229 : i32 to index
        %get3A_231 = tpu.vector_load %arg12[%get3A_230] {strides = array<i32>} : memref<8192xf32, #tpu.memory_space<vmem>>, vector<16xf32>,
        %get3A_232 = vector.shape_cast %get3A_231 : vector<16xf32> to vector<16xf32>
        %get3A_233 = arith.index_cast %mul3A_229 : i32 to index
        %get3A_234 = tpu.vector_load %arg10[%get3A_233] {strides = array<i32>} : memref<8192xf32, #tpu.memory_space<vmem>>, vector<16xf32>,
        %get3A_235 = vector.shape_cast %get3A_234 : vector<16xf32> to vector<16xf32>
        %mul3A_236 = arith.mulf %get3A_232, %get3A_235 : vector<16xf32>
        %swap3A_237 = arith.index_cast %mul3A_229 : i32 to index
        %swap3A_238 = tpu.vector_load %arg12[%swap3A_237] {strides = array<i32>} : memref<8192xf32, #tpu.memory_space<vmem>>, vector<16xf32>,
        %swap3A_239 = vector.shape_cast %swap3A_238 : vector<16xf32> to vector<16xf32>
        %swap3A_240 = vector.shape_cast %mul3A_236 : vector<16xf32> to vector<16xf32>
        tpu.vector_store %arg12[%swap3A_237], %swap3A_240 {strides = array<i32>} : memref<8192xf32, #tpu.memory_space<vmem>>, vector<16xf32>,
        %scan3A_241 = arith.constant 7 : i32
        %scan3A_242 = arith.addi %scan3A_139, %scan3A_241 : i32
        %mul3A_243 = arith.constant 16 : i32
        %mul3A_244 = arith.muli %scan3A_242, %mul3A_243 : i32
        %get3A_245 = arith.index_cast %mul3A_244 : i32 to index
        %get3A_246 = tpu.vector_load %arg12[%get3A_245] {strides = array<i32>} : memref<8192xf32, #tpu.memory_space<vmem>>, vector<16xf32>,
        %get3A_247 = vector.shape_cast %get3A_246 : vector<16xf32> to vector<16xf32>
        %get3A_248 = arith.index_cast %mul3A_244 : i32 to index
        %get3A_249 = tpu.vector_load %arg10[%get3A_248] {strides = array<i32>} : memref<8192xf32, #tpu.memory_space<vmem>>, vector<16xf32>,
        %get3A_250 = vector.shape_cast %get3A_249 : vector<16xf32> to vector<16xf32>
        %mul3A_251 = arith.mulf %get3A_247, %get3A_250 : vector<16xf32>
        %swap3A_252 = arith.index_cast %mul3A_244 : i32 to index
        %swap3A_253 = tpu.vector_load %arg12[%swap3A_252] {strides = array<i32>} : memref<8192xf32, #tpu.memory_space<vmem>>, vector<16xf32>,
        %swap3A_254 = vector.shape_cast %swap3A_253 : vector<16xf32> to vector<16xf32>
        %swap3A_255 = vector.shape_cast %mul3A_251 : vector<16xf32> to vector<16xf32>
        tpu.vector_store %arg12[%swap3A_252], %swap3A_255 {strides = array<i32>} : memref<8192xf32, #tpu.memory_space<vmem>>, vector<16xf32>,
        %scan3A_256 = arith.constant 8 : i32
        %scan3A_257 = arith.addi %scan3A_139, %scan3A_256 : i32
        %mul3A_258 = arith.constant 16 : i32
        %mul3A_259 = arith.muli %scan3A_257, %mul3A_258 : i32
        %get3A_260 = arith.index_cast %mul3A_259 : i32 to index
        %get3A_261 = tpu.vector_load %arg12[%get3A_260] {strides = array<i32>} : memref<8192xf32, #tpu.memory_space<vmem>>, vector<16xf32>,
        %get3A_262 = vector.shape_cast %get3A_261 : vector<16xf32> to vector<16xf32>
        %get3A_263 = arith.index_cast %mul3A_259 : i32 to index
        %get3A_264 = tpu.vector_load %arg10[%get3A_263] {strides = array<i32>} : memref<8192xf32, #tpu.memory_space<vmem>>, vector<16xf32>,
        %get3A_265 = vector.shape_cast %get3A_264 : vector<16xf32> to vector<16xf32>
        %mul3A_266 = arith.mulf %get3A_262, %get3A_265 : vector<16xf32>
        %swap3A_267 = arith.index_cast %mul3A_259 : i32 to index
        %swap3A_268 = tpu.vector_load %arg12[%swap3A_267] {strides = array<i32>} : memref<8192xf32, #tpu.memory_space<vmem>>, vector<16xf32>,
        %swap3A_269 = vector.shape_cast %swap3A_268 : vector<16xf32> to vector<16xf32>
        %swap3A_270 = vector.shape_cast %mul3A_266 : vector<16xf32> to vector<16xf32>
        tpu.vector_store %arg12[%swap3A_267], %swap3A_270 {strides = array<i32>} : memref<8192xf32, #tpu.memory_space<vmem>>, vector<16xf32>,
        %scan3A_271 = arith.constant 9 : i32
        %scan3A_272 = arith.addi %scan3A_139, %scan3A_271 : i32
        %mul3A_273 = arith.constant 16 : i32
        %mul3A_274 = arith.muli %scan3A_272, %mul3A_273 : i32
        %get3A_275 = arith.index_cast %mul3A_274 : i32 to index
        %get3A_276 = tpu.vector_load %arg12[%get3A_275] {strides = array<i32>} : memref<8192xf32, #tpu.memory_space<vmem>>, vector<16xf32>,
        %get3A_277 = vector.shape_cast %get3A_276 : vector<16xf32> to vector<16xf32>
        %get3A_278 = arith.index_cast %mul3A_274 : i32 to index
        %get3A_279 = tpu.vector_load %arg10[%get3A_278] {strides = array<i32>} : memref<8192xf32, #tpu.memory_space<vmem>>, vector<16xf32>,
        %get3A_280 = vector.shape_cast %get3A_279 : vector<16xf32> to vector<16xf32>
        %mul3A_281 = arith.mulf %get3A_277, %get3A_280 : vector<16xf32>
        %swap3A_282 = arith.index_cast %mul3A_274 : i32 to index
        %swap3A_283 = tpu.vector_load %arg12[%swap3A_282] {strides = array<i32>} : memref<8192xf32, #tpu.memory_space<vmem>>, vector<16xf32>,
        %swap3A_284 = vector.shape_cast %swap3A_283 : vector<16xf32> to vector<16xf32>
        %swap3A_285 = vector.shape_cast %mul3A_281 : vector<16xf32> to vector<16xf32>
        tpu.vector_store %arg12[%swap3A_282], %swap3A_285 {strides = array<i32>} : memref<8192xf32, #tpu.memory_space<vmem>>, vector<16xf32>,
        %scan3A_286 = arith.constant 10 : i32
        %scan3A_287 = arith.addi %scan3A_139, %scan3A_286 : i32
        %mul3A_288 = arith.constant 16 : i32
        %mul3A_289 = arith.muli %scan3A_287, %mul3A_288 : i32
        %get3A_290 = arith.index_cast %mul3A_289 : i32 to index
        %get3A_291 = tpu.vector_load %arg12[%get3A_290] {strides = array<i32>} : memref<8192xf32, #tpu.memory_space<vmem>>, vector<16xf32>,
        %get3A_292 = vector.shape_cast %get3A_291 : vector<16xf32> to vector<16xf32>
        %get3A_293 = arith.index_cast %mul3A_289 : i32 to index
        %get3A_294 = tpu.vector_load %arg10[%get3A_293] {strides = array<i32>} : memref<8192xf32, #tpu.memory_space<vmem>>, vector<16xf32>,
        %get3A_295 = vector.shape_cast %get3A_294 : vector<16xf32> to vector<16xf32>
        %mul3A_296 = arith.mulf %get3A_292, %get3A_295 : vector<16xf32>
        %swap3A_297 = arith.index_cast %mul3A_289 : i32 to index
        %swap3A_298 = tpu.vector_load %arg12[%swap3A_297] {strides = array<i32>} : memref<8192xf32, #tpu.memory_space<vmem>>, vector<16xf32>,
        %swap3A_299 = vector.shape_cast %swap3A_298 : vector<16xf32> to vector<16xf32>
        %swap3A_300 = vector.shape_cast %mul3A_296 : vector<16xf32> to vector<16xf32>
        tpu.vector_store %arg12[%swap3A_297], %swap3A_300 {strides = array<i32>} : memref<8192xf32, #tpu.memory_space<vmem>>, vector<16xf32>,
        %scan3A_301 = arith.constant 11 : i32
        %scan3A_302 = arith.addi %scan3A_139, %scan3A_301 : i32
        %mul3A_303 = arith.constant 16 : i32
        %mul3A_304 = arith.muli %scan3A_302, %mul3A_303 : i32
        %get3A_305 = arith.index_cast %mul3A_304 : i32 to index
        %get3A_306 = tpu.vector_load %arg12[%get3A_305] {strides = array<i32>} : memref<8192xf32, #tpu.memory_space<vmem>>, vector<16xf32>,
        %get3A_307 = vector.shape_cast %get3A_306 : vector<16xf32> to vector<16xf32>
        %get3A_308 = arith.index_cast %mul3A_304 : i32 to index
        %get3A_309 = tpu.vector_load %arg10[%get3A_308] {strides = array<i32>} : memref<8192xf32, #tpu.memory_space<vmem>>, vector<16xf32>,
        %get3A_310 = vector.shape_cast %get3A_309 : vector<16xf32> to vector<16xf32>
        %mul3A_311 = arith.mulf %get3A_307, %get3A_310 : vector<16xf32>
        %swap3A_312 = arith.index_cast %mul3A_304 : i32 to index
        %swap3A_313 = tpu.vector_load %arg12[%swap3A_312] {strides = array<i32>} : memref<8192xf32, #tpu.memory_space<vmem>>, vector<16xf32>,
        %swap3A_314 = vector.shape_cast %swap3A_313 : vector<16xf32> to vector<16xf32>
        %swap3A_315 = vector.shape_cast %mul3A_311 : vector<16xf32> to vector<16xf32>
        tpu.vector_store %arg12[%swap3A_312], %swap3A_315 {strides = array<i32>} : memref<8192xf32, #tpu.memory_space<vmem>>, vector<16xf32>,
        %scan3A_316 = arith.constant 12 : i32
        %scan3A_317 = arith.addi %scan3A_139, %scan3A_316 : i32
        %mul3A_318 = arith.constant 16 : i32
        %mul3A_319 = arith.muli %scan3A_317, %mul3A_318 : i32
        %get3A_320 = arith.index_cast %mul3A_319 : i32 to index
        %get3A_321 = tpu.vector_load %arg12[%get3A_320] {strides = array<i32>} : memref<8192xf32, #tpu.memory_space<vmem>>, vector<16xf32>,
        %get3A_322 = vector.shape_cast %get3A_321 : vector<16xf32> to vector<16xf32>
        %get3A_323 = arith.index_cast %mul3A_319 : i32 to index
        %get3A_324 = tpu.vector_load %arg10[%get3A_323] {strides = array<i32>} : memref<8192xf32, #tpu.memory_space<vmem>>, vector<16xf32>,
        %get3A_325 = vector.shape_cast %get3A_324 : vector<16xf32> to vector<16xf32>
        %mul3A_326 = arith.mulf %get3A_322, %get3A_325 : vector<16xf32>
        %swap3A_327 = arith.index_cast %mul3A_319 : i32 to index
        %swap3A_328 = tpu.vector_load %arg12[%swap3A_327] {strides = array<i32>} : memref<8192xf32, #tpu.memory_space<vmem>>, vector<16xf32>,
        %swap3A_329 = vector.shape_cast %swap3A_328 : vector<16xf32> to vector<16xf32>
        %swap3A_330 = vector.shape_cast %mul3A_326 : vector<16xf32> to vector<16xf32>
        tpu.vector_store %arg12[%swap3A_327], %swap3A_330 {strides = array<i32>} : memref<8192xf32, #tpu.memory_space<vmem>>, vector<16xf32>,
        %scan3A_331 = arith.constant 13 : i32
        %scan3A_332 = arith.addi %scan3A_139, %scan3A_331 : i32
        %mul3A_333 = arith.constant 16 : i32
        %mul3A_334 = arith.muli %scan3A_332, %mul3A_333 : i32
        %get3A_335 = arith.index_cast %mul3A_334 : i32 to index
        %get3A_336 = tpu.vector_load %arg12[%get3A_335] {strides = array<i32>} : memref<8192xf32, #tpu.memory_space<vmem>>, vector<16xf32>,
        %get3A_337 = vector.shape_cast %get3A_336 : vector<16xf32> to vector<16xf32>
        %get3A_338 = arith.index_cast %mul3A_334 : i32 to index
        %get3A_339 = tpu.vector_load %arg10[%get3A_338] {strides = array<i32>} : memref<8192xf32, #tpu.memory_space<vmem>>, vector<16xf32>,
        %get3A_340 = vector.shape_cast %get3A_339 : vector<16xf32> to vector<16xf32>
        %mul3A_341 = arith.mulf %get3A_337, %get3A_340 : vector<16xf32>
        %swap3A_342 = arith.index_cast %mul3A_334 : i32 to index
        %swap3A_343 = tpu.vector_load %arg12[%swap3A_342] {strides = array<i32>} : memref<8192xf32, #tpu.memory_space<vmem>>, vector<16xf32>,
        %swap3A_344 = vector.shape_cast %swap3A_343 : vector<16xf32> to vector<16xf32>
        %swap3A_345 = vector.shape_cast %mul3A_341 : vector<16xf32> to vector<16xf32>
        tpu.vector_store %arg12[%swap3A_342], %swap3A_345 {strides = array<i32>} : memref<8192xf32, #tpu.memory_space<vmem>>, vector<16xf32>,
        %scan3A_346 = arith.constant 14 : i32
        %scan3A_347 = arith.addi %scan3A_139, %scan3A_346 : i32
        %mul3A_348 = arith.constant 16 : i32
        %mul3A_349 = arith.muli %scan3A_347, %mul3A_348 : i32
        %get3A_350 = arith.index_cast %mul3A_349 : i32 to index
        %get3A_351 = tpu.vector_load %arg12[%get3A_350] {strides = array<i32>} : memref<8192xf32, #tpu.memory_space<vmem>>, vector<16xf32>,
        %get3A_352 = vector.shape_cast %get3A_351 : vector<16xf32> to vector<16xf32>
        %get3A_353 = arith.index_cast %mul3A_349 : i32 to index
        %get3A_354 = tpu.vector_load %arg10[%get3A_353] {strides = array<i32>} : memref<8192xf32, #tpu.memory_space<vmem>>, vector<16xf32>,
        %get3A_355 = vector.shape_cast %get3A_354 : vector<16xf32> to vector<16xf32>
        %mul3A_356 = arith.mulf %get3A_352, %get3A_355 : vector<16xf32>
        %swap3A_357 = arith.index_cast %mul3A_349 : i32 to index
        %swap3A_358 = tpu.vector_load %arg12[%swap3A_357] {strides = array<i32>} : memref<8192xf32, #tpu.memory_space<vmem>>, vector<16xf32>,
        %swap3A_359 = vector.shape_cast %swap3A_358 : vector<16xf32> to vector<16xf32>
        %swap3A_360 = vector.shape_cast %mul3A_356 : vector<16xf32> to vector<16xf32>
        tpu.vector_store %arg12[%swap3A_357], %swap3A_360 {strides = array<i32>} : memref<8192xf32, #tpu.memory_space<vmem>>, vector<16xf32>,
        %scan3A_361 = arith.constant 15 : i32
        %scan3A_362 = arith.addi %scan3A_139, %scan3A_361 : i32
        %mul3A_363 = arith.constant 16 : i32
        %mul3A_364 = arith.muli %scan3A_362, %mul3A_363 : i32
        %get3A_365 = arith.index_cast %mul3A_364 : i32 to index
        %get3A_366 = tpu.vector_load %arg12[%get3A_365] {strides = array<i32>} : memref<8192xf32, #tpu.memory_space<vmem>>, vector<16xf32>,
        %get3A_367 = vector.shape_cast %get3A_366 : vector<16xf32> to vector<16xf32>
        %get3A_368 = arith.index_cast %mul3A_364 : i32 to index
        %get3A_369 = tpu.vector_load %arg10[%get3A_368] {strides = array<i32>} : memref<8192xf32, #tpu.memory_space<vmem>>, vector<16xf32>,
        %get3A_370 = vector.shape_cast %get3A_369 : vector<16xf32> to vector<16xf32>
        %mul3A_371 = arith.mulf %get3A_367, %get3A_370 : vector<16xf32>
        %swap3A_372 = arith.index_cast %mul3A_364 : i32 to index
        %swap3A_373 = tpu.vector_load %arg12[%swap3A_372] {strides = array<i32>} : memref<8192xf32, #tpu.memory_space<vmem>>, vector<16xf32>,
        %swap3A_374 = vector.shape_cast %swap3A_373 : vector<16xf32> to vector<16xf32>
        %swap3A_375 = vector.shape_cast %mul3A_371 : vector<16xf32> to vector<16xf32>
        tpu.vector_store %arg12[%swap3A_372], %swap3A_375 {strides = array<i32>} : memref<8192xf32, #tpu.memory_space<vmem>>, vector<16xf32>,
      }
      %scan3A_123 = arith.constant 512 : i32
      %mul3A_124 = arith.constant 8192 : i32
      %mul3A_125 = arith.muli %add3A_105, %mul3A_124 : i32
      %add3A_126 = arith.addi %mul3A_2, %mul3A_125 : i32
      %dma_start3A_127 = arith.constant 1 : i32
      %dma_start3A_128 = tpu.memref_slice %arg5[%add3A_126] : memref<16777216xf32, #tpu.memory_space<hbm>> -> memref<8192xf32, #tpu.memory_space<hbm>>
      %dma_start3A_129 = tpu.memref_slice %arg16[%dma_start3A_127] : memref<2x!tpu.dma_semaphore, #tpu.memory_space<semaphore_mem>> -> memref<1x!tpu.dma_semaphore, #tpu.memory_space<semaphore_mem>>
      %dma_start3A_130 = tpu.memref_squeeze %dma_start3A_129 : memref<1x!tpu.dma_semaphore, #tpu.memory_space<semaphore_mem>> -> memref<!tpu.dma_semaphore, #tpu.memory_space<semaphore_mem>>
      %dma_start3A_131 = tpu.memref_slice %arg5[%add3A_126] : memref<16777216xf32, #tpu.memory_space<hbm>> -> memref<8192xf32, #tpu.memory_space<hbm>>
      tpu.enqueue_dma source(%arg12 : memref<8192xf32, #tpu.memory_space<vmem>>) target(%dma_start3A_131 : memref<8192xf32, #tpu.memory_space<hbm>>) target_semaphore(%dma_start3A_130 : memref<!tpu.dma_semaphore, #tpu.memory_space<semaphore_mem>>)
      %add3A_132 = arith.constant 2 : i32
      %add3A_133 = arith.addi %add3A_105, %add3A_132 : i32
      %lt3A_134 = arith.constant 64 : i32
      %lt3A_135 = arith.cmpi slt, %add3A_133, %lt3A_134 : i32
      %convert_element_type3A_136 = arith.extui %lt3A_135 : i1 to i32
      %cond3A_137 = arith.constant 0 : i32
      %cond3A_138 = arith.cmpi ne, %convert_element_type3A_136, %cond3A_137 : i32
      scf.if %cond3A_138 {
        %add3A_139 = arith.constant 2 : i32
        %add3A_140 = arith.addi %add3A_105, %add3A_139 : i32
        %mul3A_141 = arith.constant 8192 : i32
        %mul3A_142 = arith.muli %add3A_140, %mul3A_141 : i32
        %add3A_143 = arith.addi %mul3A_2, %mul3A_142 : i32
        %dma_start3A_144 = arith.constant 1 : i32
        %dma_start3A_145 = tpu.memref_slice %arg4[%add3A_143] : memref<16777216xi32, #tpu.memory_space<hbm>> -> memref<8192xi32, #tpu.memory_space<hbm>>
        %dma_start3A_146 = tpu.memref_slice %arg13[%dma_start3A_144] : memref<2x!tpu.dma_semaphore, #tpu.memory_space<semaphore_mem>> -> memref<1x!tpu.dma_semaphore, #tpu.memory_space<semaphore_mem>>
        %dma_start3A_147 = tpu.memref_squeeze %dma_start3A_146 : memref<1x!tpu.dma_semaphore, #tpu.memory_space<semaphore_mem>> -> memref<!tpu.dma_semaphore, #tpu.memory_space<semaphore_mem>>
        %dma_start3A_148 = tpu.memref_slice %arg4[%add3A_143] : memref<16777216xi32, #tpu.memory_space<hbm>> -> memref<8192xi32, #tpu.memory_space<hbm>>
        tpu.enqueue_dma source(%dma_start3A_148 : memref<8192xi32, #tpu.memory_space<hbm>>) target(%arg8 : memref<8192xi32, #tpu.memory_space<vmem>>) target_semaphore(%dma_start3A_147 : memref<!tpu.dma_semaphore, #tpu.memory_space<semaphore_mem>>)
        %dma_start3A_149 = arith.constant 1 : i32
        %dma_start3A_150 = tpu.memref_slice %arg3[%add3A_143] : memref<16777216xf32, #tpu.memory_space<hbm>> -> memref<8192xf32, #tpu.memory_space<hbm>>
        %dma_start3A_151 = tpu.memref_slice %arg14[%dma_start3A_149] : memref<2x!tpu.dma_semaphore, #tpu.memory_space<semaphore_mem>> -> memref<1x!tpu.dma_semaphore, #tpu.memory_space<semaphore_mem>>
        %dma_start3A_152 = tpu.memref_squeeze %dma_start3A_151 : memref<1x!tpu.dma_semaphore, #tpu.memory_space<semaphore_mem>> -> memref<!tpu.dma_semaphore, #tpu.memory_space<semaphore_mem>>
        %dma_start3A_153 = tpu.memref_slice %arg3[%add3A_143] : memref<16777216xf32, #tpu.memory_space<hbm>> -> memref<8192xf32, #tpu.memory_space<hbm>>
        tpu.enqueue_dma source(%dma_start3A_153 : memref<8192xf32, #tpu.memory_space<hbm>>) target(%arg10 : memref<8192xf32, #tpu.memory_space<vmem>>) target_semaphore(%dma_start3A_152 : memref<!tpu.dma_semaphore, #tpu.memory_space<semaphore_mem>>)
      } else {
      }
    }
    %scan3A_52 = arith.constant 32 : i32
    %dma_wait3A_53 = arith.constant 0 : i32
    %dma_wait3A_54 = arith.constant 0 : i32
    %dma_wait3A_55 = tpu.memref_slice %arg5[%dma_wait3A_54] : memref<16777216xf32, #tpu.memory_space<hbm>> -> memref<8192xf32, #tpu.memory_space<hbm>>
    %dma_wait3A_56 = tpu.memref_slice %arg16[%dma_wait3A_53] : memref<2x!tpu.dma_semaphore, #tpu.memory_space<semaphore_mem>> -> memref<1x!tpu.dma_semaphore, #tpu.memory_space<semaphore_mem>>
    %dma_wait3A_57 = tpu.memref_squeeze %dma_wait3A_56 : memref<1x!tpu.dma_semaphore, #tpu.memory_space<semaphore_mem>> -> memref<!tpu.dma_semaphore, #tpu.memory_space<semaphore_mem>>
    %dma_wait3A_58 = arith.constant 0 : i32
    %dma_wait3A_59 = tpu.memref_slice %arg5[%dma_wait3A_58] : memref<16777216xf32, #tpu.memory_space<hbm>> -> memref<8192xf32, #tpu.memory_space<hbm>>
    tpu.wait_dma2 semaphore(%dma_wait3A_57 : memref<!tpu.dma_semaphore, #tpu.memory_space<semaphore_mem>>) src(%arg11 : memref<8192xf32, #tpu.memory_space<vmem>>) dst(%dma_wait3A_59 : memref<8192xf32, #tpu.memory_space<hbm>>)
    %dma_wait3A_60 = arith.constant 1 : i32
    %dma_wait3A_61 = arith.constant 0 : i32
    %dma_wait3A_62 = tpu.memref_slice %arg5[%dma_wait3A_61] : memref<16777216xf32, #tpu.memory_space<hbm>> -> memref<8192xf32, #tpu.memory_space<hbm>>
    %dma_wait3A_63 = tpu.memref_slice %arg16[%dma_wait3A_60] : memref<2x!tpu.dma_semaphore, #tpu.memory_space<semaphore_mem>> -> memref<1x!tpu.dma_semaphore, #tpu.memory_space<semaphore_mem>>
    %dma_wait3A_64 = tpu.memref_squeeze %dma_wait3A_63 : memref<1x!tpu.dma_semaphore, #tpu.memory_space<semaphore_mem>> -> memref<!tpu.dma_semaphore, #tpu.memory_space<semaphore_mem>>
    %dma_wait3A_65 = arith.constant 0 : i32
    %dma_wait3A_66 = tpu.memref_slice %arg5[%dma_wait3A_65] : memref<16777216xf32, #tpu.memory_space<hbm>> -> memref<8192xf32, #tpu.memory_space<hbm>>
    tpu.wait_dma2 semaphore(%dma_wait3A_64 : memref<!tpu.dma_semaphore, #tpu.memory_space<semaphore_mem>>) src(%arg12 : memref<8192xf32, #tpu.memory_space<vmem>>) dst(%dma_wait3A_66 : memref<8192xf32, #tpu.memory_space<hbm>>)
    return
  }
}

module attributes {stable_mosaic.version = 14 : i64} {
  func.func @_scores_body(%arg0: i32, %arg1: memref<15x64x1024xf32, #tpu.memory_space<vmem>>, %arg2: memref<18xf32, #tpu.memory_space<smem>>, %arg3: memref<64x1024xf32, #tpu.memory_space<vmem>>) attributes {dimension_semantics = [#tpu.dimension_semantics<arbitrary>], iteration_bounds = array<i64: 16>, scalar_prefetch = 0 : i64, scratch_operands = 0 : i64, tpu.core_type = #tpu.core_type<tc>, window_params = [{transform_indices = @transform_0, window_bounds = array<i64: 15, 64, 1024>}, {transform_indices = @transform_1, window_bounds = array<i64: 18>}, {transform_indices = @transform_2, window_bounds = array<i64: 64, 1024>}]} {
    %get3A = arith.constant 0 : index
    %get3A_0 = memref.load %arg2[%get3A] : memref<18xf32, #tpu.memory_space<smem>>
    %get3A_1 = arith.constant 0 : index
    %get3A_2 = arith.constant 0 : index
    %get3A_3 = arith.constant 0 : index
    %get3A_4 = vector.load %arg1[%get3A_1, %get3A_2, %get3A_3] : memref<15x64x1024xf32, #tpu.memory_space<vmem>>, vector<1x64x1024xf32>
    %get3A_5 = vector.shape_cast %get3A_4 : vector<1x64x1024xf32> to vector<64x1024xf32>
    %mul3A = vector.broadcast %get3A_0 : f32 to vector<64x1024xf32>
    %mul3A_6 = arith.mulf %mul3A, %get3A_5 : vector<64x1024xf32>
    %get3A_7 = arith.constant 1 : index
    %get3A_8 = memref.load %arg2[%get3A_7] : memref<18xf32, #tpu.memory_space<smem>>
    %get3A_9 = arith.constant 1 : index
    %get3A_10 = arith.constant 0 : index
    %get3A_11 = arith.constant 0 : index
    %get3A_12 = vector.load %arg1[%get3A_9, %get3A_10, %get3A_11] : memref<15x64x1024xf32, #tpu.memory_space<vmem>>, vector<1x64x1024xf32>
    %get3A_13 = vector.shape_cast %get3A_12 : vector<1x64x1024xf32> to vector<64x1024xf32>
    %mul3A_14 = vector.broadcast %get3A_8 : f32 to vector<64x1024xf32>
    %mul3A_15 = arith.mulf %mul3A_14, %get3A_13 : vector<64x1024xf32>
    %add3A = arith.addf %mul3A_6, %mul3A_15 : vector<64x1024xf32>
    %get3A_16 = arith.constant 2 : index
    %get3A_17 = memref.load %arg2[%get3A_16] : memref<18xf32, #tpu.memory_space<smem>>
    %get3A_18 = arith.constant 2 : index
    %get3A_19 = arith.constant 0 : index
    %get3A_20 = arith.constant 0 : index
    %get3A_21 = vector.load %arg1[%get3A_18, %get3A_19, %get3A_20] : memref<15x64x1024xf32, #tpu.memory_space<vmem>>, vector<1x64x1024xf32>
    %get3A_22 = vector.shape_cast %get3A_21 : vector<1x64x1024xf32> to vector<64x1024xf32>
    %mul3A_23 = vector.broadcast %get3A_17 : f32 to vector<64x1024xf32>
    %mul3A_24 = arith.mulf %mul3A_23, %get3A_22 : vector<64x1024xf32>
    %add3A_25 = arith.addf %add3A, %mul3A_24 : vector<64x1024xf32>
    %get3A_26 = arith.constant 3 : index
    %get3A_27 = memref.load %arg2[%get3A_26] : memref<18xf32, #tpu.memory_space<smem>>
    %get3A_28 = arith.constant 3 : index
    %get3A_29 = arith.constant 0 : index
    %get3A_30 = arith.constant 0 : index
    %get3A_31 = vector.load %arg1[%get3A_28, %get3A_29, %get3A_30] : memref<15x64x1024xf32, #tpu.memory_space<vmem>>, vector<1x64x1024xf32>
    %get3A_32 = vector.shape_cast %get3A_31 : vector<1x64x1024xf32> to vector<64x1024xf32>
    %mul3A_33 = vector.broadcast %get3A_27 : f32 to vector<64x1024xf32>
    %mul3A_34 = arith.mulf %mul3A_33, %get3A_32 : vector<64x1024xf32>
    %add3A_35 = arith.addf %add3A_25, %mul3A_34 : vector<64x1024xf32>
    %get3A_36 = arith.constant 4 : index
    %get3A_37 = memref.load %arg2[%get3A_36] : memref<18xf32, #tpu.memory_space<smem>>
    %get3A_38 = arith.constant 4 : index
    %get3A_39 = arith.constant 0 : index
    %get3A_40 = arith.constant 0 : index
    %get3A_41 = vector.load %arg1[%get3A_38, %get3A_39, %get3A_40] : memref<15x64x1024xf32, #tpu.memory_space<vmem>>, vector<1x64x1024xf32>
    %get3A_42 = vector.shape_cast %get3A_41 : vector<1x64x1024xf32> to vector<64x1024xf32>
    %log3A = math.log %get3A_42 : vector<64x1024xf32>
    %mul3A_43 = vector.broadcast %get3A_37 : f32 to vector<64x1024xf32>
    %mul3A_44 = arith.mulf %mul3A_43, %log3A : vector<64x1024xf32>
    %add3A_45 = arith.addf %add3A_35, %mul3A_44 : vector<64x1024xf32>
    %get3A_46 = arith.constant 6 : index
    %get3A_47 = arith.constant 0 : index
    %get3A_48 = arith.constant 0 : index
    %get3A_49 = vector.load %arg1[%get3A_46, %get3A_47, %get3A_48] : memref<15x64x1024xf32, #tpu.memory_space<vmem>>, vector<1x64x1024xf32>
    %get3A_50 = vector.shape_cast %get3A_49 : vector<1x64x1024xf32> to vector<64x1024xf32>
    %get3A_51 = arith.constant 5 : index
    %get3A_52 = memref.load %arg2[%get3A_51] : memref<18xf32, #tpu.memory_space<smem>>
    %abs3A = math.absf %get3A_50 : vector<64x1024xf32>
    %add3A_53 = arith.constant 1.000000e-10 : f32
    %add3A_54 = vector.broadcast %add3A_53 : f32 to vector<64x1024xf32>
    %add3A_55 = arith.addf %abs3A, %add3A_54 : vector<64x1024xf32>
    %log3A_56 = math.log %add3A_55 : vector<64x1024xf32>
    %sign3A = tpu.bitcast %get3A_50 : vector<64x1024xf32> -> vector<64x1024xi32>
    %sign3A_57 = arith.constant -2147483648 : i32
    %sign3A_58 = vector.broadcast %sign3A_57 : i32 to vector<64x1024xi32>
    %sign3A_59 = arith.andi %sign3A, %sign3A_58 : vector<64x1024xi32>
    %sign3A_60 = arith.constant 1065353216 : i32
    %sign3A_61 = vector.broadcast %sign3A_60 : i32 to vector<64x1024xi32>
    %sign3A_62 = arith.ori %sign3A_61, %sign3A_59 : vector<64x1024xi32>
    %sign3A_63 = tpu.bitcast %sign3A_62 : vector<64x1024xi32> -> vector<64x1024xf32>
    %sign3A_64 = math.absf %get3A_50 : vector<64x1024xf32>
    %sign3A_65 = arith.constant 0.000000e+00 : f32
    %sign3A_66 = vector.broadcast %sign3A_65 : f32 to vector<64x1024xf32>
    %sign3A_67 = arith.cmpf ogt, %sign3A_64, %sign3A_66 : vector<64x1024xf32>
    %sign3A_68 = arith.select %sign3A_67, %sign3A_63, %get3A_50 : vector<64x1024xi1>, vector<64x1024xf32>
    %mul3A_69 = arith.mulf %log3A_56, %sign3A_68 : vector<64x1024xf32>
    %mul3A_70 = vector.broadcast %get3A_52 : f32 to vector<64x1024xf32>
    %mul3A_71 = arith.mulf %mul3A_70, %mul3A_69 : vector<64x1024xf32>
    %add3A_72 = arith.addf %add3A_45, %mul3A_71 : vector<64x1024xf32>
    %get3A_73 = arith.constant 7 : index
    %get3A_74 = arith.constant 0 : index
    %get3A_75 = arith.constant 0 : index
    %get3A_76 = vector.load %arg1[%get3A_73, %get3A_74, %get3A_75] : memref<15x64x1024xf32, #tpu.memory_space<vmem>>, vector<1x64x1024xf32>
    %get3A_77 = vector.shape_cast %get3A_76 : vector<1x64x1024xf32> to vector<64x1024xf32>
    %get3A_78 = arith.constant 6 : index
    %get3A_79 = memref.load %arg2[%get3A_78] : memref<18xf32, #tpu.memory_space<smem>>
    %abs3A_80 = math.absf %get3A_77 : vector<64x1024xf32>
    %add3A_81 = arith.constant 1.000000e-10 : f32
    %add3A_82 = vector.broadcast %add3A_81 : f32 to vector<64x1024xf32>
    %add3A_83 = arith.addf %abs3A_80, %add3A_82 : vector<64x1024xf32>
    %log3A_84 = math.log %add3A_83 : vector<64x1024xf32>
    %sign3A_85 = tpu.bitcast %get3A_77 : vector<64x1024xf32> -> vector<64x1024xi32>
    %sign3A_86 = arith.constant -2147483648 : i32
    %sign3A_87 = vector.broadcast %sign3A_86 : i32 to vector<64x1024xi32>
    %sign3A_88 = arith.andi %sign3A_85, %sign3A_87 : vector<64x1024xi32>
    %sign3A_89 = arith.constant 1065353216 : i32
    %sign3A_90 = vector.broadcast %sign3A_89 : i32 to vector<64x1024xi32>
    %sign3A_91 = arith.ori %sign3A_90, %sign3A_88 : vector<64x1024xi32>
    %sign3A_92 = tpu.bitcast %sign3A_91 : vector<64x1024xi32> -> vector<64x1024xf32>
    %sign3A_93 = math.absf %get3A_77 : vector<64x1024xf32>
    %sign3A_94 = arith.constant 0.000000e+00 : f32
    %sign3A_95 = vector.broadcast %sign3A_94 : f32 to vector<64x1024xf32>
    %sign3A_96 = arith.cmpf ogt, %sign3A_93, %sign3A_95 : vector<64x1024xf32>
    %sign3A_97 = arith.select %sign3A_96, %sign3A_92, %get3A_77 : vector<64x1024xi1>, vector<64x1024xf32>
    %mul3A_98 = arith.mulf %log3A_84, %sign3A_97 : vector<64x1024xf32>
    %mul3A_99 = vector.broadcast %get3A_79 : f32 to vector<64x1024xf32>
    %mul3A_100 = arith.mulf %mul3A_99, %mul3A_98 : vector<64x1024xf32>
    %add3A_101 = arith.addf %add3A_72, %mul3A_100 : vector<64x1024xf32>
    %get3A_102 = arith.constant 8 : index
    %get3A_103 = arith.constant 0 : index
    %get3A_104 = arith.constant 0 : index
    %get3A_105 = vector.load %arg1[%get3A_102, %get3A_103, %get3A_104] : memref<15x64x1024xf32, #tpu.memory_space<vmem>>, vector<1x64x1024xf32>
    %get3A_106 = vector.shape_cast %get3A_105 : vector<1x64x1024xf32> to vector<64x1024xf32>
    %get3A_107 = arith.constant 7 : index
    %get3A_108 = memref.load %arg2[%get3A_107] : memref<18xf32, #tpu.memory_space<smem>>
    %abs3A_109 = math.absf %get3A_106 : vector<64x1024xf32>
    %add3A_110 = arith.constant 1.000000e-10 : f32
    %add3A_111 = vector.broadcast %add3A_110 : f32 to vector<64x1024xf32>
    %add3A_112 = arith.addf %abs3A_109, %add3A_111 : vector<64x1024xf32>
    %log3A_113 = math.log %add3A_112 : vector<64x1024xf32>
    %sign3A_114 = tpu.bitcast %get3A_106 : vector<64x1024xf32> -> vector<64x1024xi32>
    %sign3A_115 = arith.constant -2147483648 : i32
    %sign3A_116 = vector.broadcast %sign3A_115 : i32 to vector<64x1024xi32>
    %sign3A_117 = arith.andi %sign3A_114, %sign3A_116 : vector<64x1024xi32>
    %sign3A_118 = arith.constant 1065353216 : i32
    %sign3A_119 = vector.broadcast %sign3A_118 : i32 to vector<64x1024xi32>
    %sign3A_120 = arith.ori %sign3A_119, %sign3A_117 : vector<64x1024xi32>
    %sign3A_121 = tpu.bitcast %sign3A_120 : vector<64x1024xi32> -> vector<64x1024xf32>
    %sign3A_122 = math.absf %get3A_106 : vector<64x1024xf32>
    %sign3A_123 = arith.constant 0.000000e+00 : f32
    %sign3A_124 = vector.broadcast %sign3A_123 : f32 to vector<64x1024xf32>
    %sign3A_125 = arith.cmpf ogt, %sign3A_122, %sign3A_124 : vector<64x1024xf32>
    %sign3A_126 = arith.select %sign3A_125, %sign3A_121, %get3A_106 : vector<64x1024xi1>, vector<64x1024xf32>
    %mul3A_127 = arith.mulf %log3A_113, %sign3A_126 : vector<64x1024xf32>
    %mul3A_128 = vector.broadcast %get3A_108 : f32 to vector<64x1024xf32>
    %mul3A_129 = arith.mulf %mul3A_128, %mul3A_127 : vector<64x1024xf32>
    %add3A_130 = arith.addf %add3A_101, %mul3A_129 : vector<64x1024xf32>
    %get3A_131 = arith.constant 9 : index
    %get3A_132 = arith.constant 0 : index
    %get3A_133 = arith.constant 0 : index
    %get3A_134 = vector.load %arg1[%get3A_131, %get3A_132, %get3A_133] : memref<15x64x1024xf32, #tpu.memory_space<vmem>>, vector<1x64x1024xf32>
    %get3A_135 = vector.shape_cast %get3A_134 : vector<1x64x1024xf32> to vector<64x1024xf32>
    %get3A_136 = arith.constant 8 : index
    %get3A_137 = memref.load %arg2[%get3A_136] : memref<18xf32, #tpu.memory_space<smem>>
    %abs3A_138 = math.absf %get3A_135 : vector<64x1024xf32>
    %add3A_139 = arith.constant 1.000000e-10 : f32
    %add3A_140 = vector.broadcast %add3A_139 : f32 to vector<64x1024xf32>
    %add3A_141 = arith.addf %abs3A_138, %add3A_140 : vector<64x1024xf32>
    %log3A_142 = math.log %add3A_141 : vector<64x1024xf32>
    %sign3A_143 = tpu.bitcast %get3A_135 : vector<64x1024xf32> -> vector<64x1024xi32>
    %sign3A_144 = arith.constant -2147483648 : i32
    %sign3A_145 = vector.broadcast %sign3A_144 : i32 to vector<64x1024xi32>
    %sign3A_146 = arith.andi %sign3A_143, %sign3A_145 : vector<64x1024xi32>
    %sign3A_147 = arith.constant 1065353216 : i32
    %sign3A_148 = vector.broadcast %sign3A_147 : i32 to vector<64x1024xi32>
    %sign3A_149 = arith.ori %sign3A_148, %sign3A_146 : vector<64x1024xi32>
    %sign3A_150 = tpu.bitcast %sign3A_149 : vector<64x1024xi32> -> vector<64x1024xf32>
    %sign3A_151 = math.absf %get3A_135 : vector<64x1024xf32>
    %sign3A_152 = arith.constant 0.000000e+00 : f32
    %sign3A_153 = vector.broadcast %sign3A_152 : f32 to vector<64x1024xf32>
    %sign3A_154 = arith.cmpf ogt, %sign3A_151, %sign3A_153 : vector<64x1024xf32>
    %sign3A_155 = arith.select %sign3A_154, %sign3A_150, %get3A_135 : vector<64x1024xi1>, vector<64x1024xf32>
    %mul3A_156 = arith.mulf %log3A_142, %sign3A_155 : vector<64x1024xf32>
    %mul3A_157 = vector.broadcast %get3A_137 : f32 to vector<64x1024xf32>
    %mul3A_158 = arith.mulf %mul3A_157, %mul3A_156 : vector<64x1024xf32>
    %add3A_159 = arith.addf %add3A_130, %mul3A_158 : vector<64x1024xf32>
    %get3A_160 = arith.constant 10 : index
    %get3A_161 = arith.constant 0 : index
    %get3A_162 = arith.constant 0 : index
    %get3A_163 = vector.load %arg1[%get3A_160, %get3A_161, %get3A_162] : memref<15x64x1024xf32, #tpu.memory_space<vmem>>, vector<1x64x1024xf32>
    %get3A_164 = vector.shape_cast %get3A_163 : vector<1x64x1024xf32> to vector<64x1024xf32>
    %get3A_165 = arith.constant 9 : index
    %get3A_166 = memref.load %arg2[%get3A_165] : memref<18xf32, #tpu.memory_space<smem>>
    %abs3A_167 = math.absf %get3A_164 : vector<64x1024xf32>
    %add3A_168 = arith.constant 1.000000e-10 : f32
    %add3A_169 = vector.broadcast %add3A_168 : f32 to vector<64x1024xf32>
    %add3A_170 = arith.addf %abs3A_167, %add3A_169 : vector<64x1024xf32>
    %log3A_171 = math.log %add3A_170 : vector<64x1024xf32>
    %sign3A_172 = tpu.bitcast %get3A_164 : vector<64x1024xf32> -> vector<64x1024xi32>
    %sign3A_173 = arith.constant -2147483648 : i32
    %sign3A_174 = vector.broadcast %sign3A_173 : i32 to vector<64x1024xi32>
    %sign3A_175 = arith.andi %sign3A_172, %sign3A_174 : vector<64x1024xi32>
    %sign3A_176 = arith.constant 1065353216 : i32
    %sign3A_177 = vector.broadcast %sign3A_176 : i32 to vector<64x1024xi32>
    %sign3A_178 = arith.ori %sign3A_177, %sign3A_175 : vector<64x1024xi32>
    %sign3A_179 = tpu.bitcast %sign3A_178 : vector<64x1024xi32> -> vector<64x1024xf32>
    %sign3A_180 = math.absf %get3A_164 : vector<64x1024xf32>
    %sign3A_181 = arith.constant 0.000000e+00 : f32
    %sign3A_182 = vector.broadcast %sign3A_181 : f32 to vector<64x1024xf32>
    %sign3A_183 = arith.cmpf ogt, %sign3A_180, %sign3A_182 : vector<64x1024xf32>
    %sign3A_184 = arith.select %sign3A_183, %sign3A_179, %get3A_164 : vector<64x1024xi1>, vector<64x1024xf32>
    %mul3A_185 = arith.mulf %log3A_171, %sign3A_184 : vector<64x1024xf32>
    %mul3A_186 = vector.broadcast %get3A_166 : f32 to vector<64x1024xf32>
    %mul3A_187 = arith.mulf %mul3A_186, %mul3A_185 : vector<64x1024xf32>
    %add3A_188 = arith.addf %add3A_159, %mul3A_187 : vector<64x1024xf32>
    %get3A_189 = arith.constant 11 : index
    %get3A_190 = arith.constant 0 : index
    %get3A_191 = arith.constant 0 : index
    %get3A_192 = vector.load %arg1[%get3A_189, %get3A_190, %get3A_191] : memref<15x64x1024xf32, #tpu.memory_space<vmem>>, vector<1x64x1024xf32>
    %get3A_193 = vector.shape_cast %get3A_192 : vector<1x64x1024xf32> to vector<64x1024xf32>
    %get3A_194 = arith.constant 10 : index
    %get3A_195 = memref.load %arg2[%get3A_194] : memref<18xf32, #tpu.memory_space<smem>>
    %abs3A_196 = math.absf %get3A_193 : vector<64x1024xf32>
    %add3A_197 = arith.constant 1.000000e-10 : f32
    %add3A_198 = vector.broadcast %add3A_197 : f32 to vector<64x1024xf32>
    %add3A_199 = arith.addf %abs3A_196, %add3A_198 : vector<64x1024xf32>
    %log3A_200 = math.log %add3A_199 : vector<64x1024xf32>
    %sign3A_201 = tpu.bitcast %get3A_193 : vector<64x1024xf32> -> vector<64x1024xi32>
    %sign3A_202 = arith.constant -2147483648 : i32
    %sign3A_203 = vector.broadcast %sign3A_202 : i32 to vector<64x1024xi32>
    %sign3A_204 = arith.andi %sign3A_201, %sign3A_203 : vector<64x1024xi32>
    %sign3A_205 = arith.constant 1065353216 : i32
    %sign3A_206 = vector.broadcast %sign3A_205 : i32 to vector<64x1024xi32>
    %sign3A_207 = arith.ori %sign3A_206, %sign3A_204 : vector<64x1024xi32>
    %sign3A_208 = tpu.bitcast %sign3A_207 : vector<64x1024xi32> -> vector<64x1024xf32>
    %sign3A_209 = math.absf %get3A_193 : vector<64x1024xf32>
    %sign3A_210 = arith.constant 0.000000e+00 : f32
    %sign3A_211 = vector.broadcast %sign3A_210 : f32 to vector<64x1024xf32>
    %sign3A_212 = arith.cmpf ogt, %sign3A_209, %sign3A_211 : vector<64x1024xf32>
    %sign3A_213 = arith.select %sign3A_212, %sign3A_208, %get3A_193 : vector<64x1024xi1>, vector<64x1024xf32>
    %mul3A_214 = arith.mulf %log3A_200, %sign3A_213 : vector<64x1024xf32>
    %mul3A_215 = vector.broadcast %get3A_195 : f32 to vector<64x1024xf32>
    %mul3A_216 = arith.mulf %mul3A_215, %mul3A_214 : vector<64x1024xf32>
    %add3A_217 = arith.addf %add3A_188, %mul3A_216 : vector<64x1024xf32>
    %get3A_218 = arith.constant 12 : index
    %get3A_219 = arith.constant 0 : index
    %get3A_220 = arith.constant 0 : index
    %get3A_221 = vector.load %arg1[%get3A_218, %get3A_219, %get3A_220] : memref<15x64x1024xf32, #tpu.memory_space<vmem>>, vector<1x64x1024xf32>
    %get3A_222 = vector.shape_cast %get3A_221 : vector<1x64x1024xf32> to vector<64x1024xf32>
    %get3A_223 = arith.constant 11 : index
    %get3A_224 = memref.load %arg2[%get3A_223] : memref<18xf32, #tpu.memory_space<smem>>
    %abs3A_225 = math.absf %get3A_222 : vector<64x1024xf32>
    %add3A_226 = arith.constant 1.000000e-10 : f32
    %add3A_227 = vector.broadcast %add3A_226 : f32 to vector<64x1024xf32>
    %add3A_228 = arith.addf %abs3A_225, %add3A_227 : vector<64x1024xf32>
    %log3A_229 = math.log %add3A_228 : vector<64x1024xf32>
    %sign3A_230 = tpu.bitcast %get3A_222 : vector<64x1024xf32> -> vector<64x1024xi32>
    %sign3A_231 = arith.constant -2147483648 : i32
    %sign3A_232 = vector.broadcast %sign3A_231 : i32 to vector<64x1024xi32>
    %sign3A_233 = arith.andi %sign3A_230, %sign3A_232 : vector<64x1024xi32>
    %sign3A_234 = arith.constant 1065353216 : i32
    %sign3A_235 = vector.broadcast %sign3A_234 : i32 to vector<64x1024xi32>
    %sign3A_236 = arith.ori %sign3A_235, %sign3A_233 : vector<64x1024xi32>
    %sign3A_237 = tpu.bitcast %sign3A_236 : vector<64x1024xi32> -> vector<64x1024xf32>
    %sign3A_238 = math.absf %get3A_222 : vector<64x1024xf32>
    %sign3A_239 = arith.constant 0.000000e+00 : f32
    %sign3A_240 = vector.broadcast %sign3A_239 : f32 to vector<64x1024xf32>
    %sign3A_241 = arith.cmpf ogt, %sign3A_238, %sign3A_240 : vector<64x1024xf32>
    %sign3A_242 = arith.select %sign3A_241, %sign3A_237, %get3A_222 : vector<64x1024xi1>, vector<64x1024xf32>
    %mul3A_243 = arith.mulf %log3A_229, %sign3A_242 : vector<64x1024xf32>
    %mul3A_244 = vector.broadcast %get3A_224 : f32 to vector<64x1024xf32>
    %mul3A_245 = arith.mulf %mul3A_244, %mul3A_243 : vector<64x1024xf32>
    %add3A_246 = arith.addf %add3A_217, %mul3A_245 : vector<64x1024xf32>
    %get3A_247 = arith.constant 13 : index
    %get3A_248 = arith.constant 0 : index
    %get3A_249 = arith.constant 0 : index
    %get3A_250 = vector.load %arg1[%get3A_247, %get3A_248, %get3A_249] : memref<15x64x1024xf32, #tpu.memory_space<vmem>>, vector<1x64x1024xf32>
    %get3A_251 = vector.shape_cast %get3A_250 : vector<1x64x1024xf32> to vector<64x1024xf32>
    %get3A_252 = arith.constant 12 : index
    %get3A_253 = memref.load %arg2[%get3A_252] : memref<18xf32, #tpu.memory_space<smem>>
    %abs3A_254 = math.absf %get3A_251 : vector<64x1024xf32>
    %add3A_255 = arith.constant 1.000000e-10 : f32
    %add3A_256 = vector.broadcast %add3A_255 : f32 to vector<64x1024xf32>
    %add3A_257 = arith.addf %abs3A_254, %add3A_256 : vector<64x1024xf32>
    %log3A_258 = math.log %add3A_257 : vector<64x1024xf32>
    %sign3A_259 = tpu.bitcast %get3A_251 : vector<64x1024xf32> -> vector<64x1024xi32>
    %sign3A_260 = arith.constant -2147483648 : i32
    %sign3A_261 = vector.broadcast %sign3A_260 : i32 to vector<64x1024xi32>
    %sign3A_262 = arith.andi %sign3A_259, %sign3A_261 : vector<64x1024xi32>
    %sign3A_263 = arith.constant 1065353216 : i32
    %sign3A_264 = vector.broadcast %sign3A_263 : i32 to vector<64x1024xi32>
    %sign3A_265 = arith.ori %sign3A_264, %sign3A_262 : vector<64x1024xi32>
    %sign3A_266 = tpu.bitcast %sign3A_265 : vector<64x1024xi32> -> vector<64x1024xf32>
    %sign3A_267 = math.absf %get3A_251 : vector<64x1024xf32>
    %sign3A_268 = arith.constant 0.000000e+00 : f32
    %sign3A_269 = vector.broadcast %sign3A_268 : f32 to vector<64x1024xf32>
    %sign3A_270 = arith.cmpf ogt, %sign3A_267, %sign3A_269 : vector<64x1024xf32>
    %sign3A_271 = arith.select %sign3A_270, %sign3A_266, %get3A_251 : vector<64x1024xi1>, vector<64x1024xf32>
    %mul3A_272 = arith.mulf %log3A_258, %sign3A_271 : vector<64x1024xf32>
    %mul3A_273 = vector.broadcast %get3A_253 : f32 to vector<64x1024xf32>
    %mul3A_274 = arith.mulf %mul3A_273, %mul3A_272 : vector<64x1024xf32>
    %add3A_275 = arith.addf %add3A_246, %mul3A_274 : vector<64x1024xf32>
    %get3A_276 = arith.constant 14 : index
    %get3A_277 = arith.constant 0 : index
    %get3A_278 = arith.constant 0 : index
    %get3A_279 = vector.load %arg1[%get3A_276, %get3A_277, %get3A_278] : memref<15x64x1024xf32, #tpu.memory_space<vmem>>, vector<1x64x1024xf32>
    %get3A_280 = vector.shape_cast %get3A_279 : vector<1x64x1024xf32> to vector<64x1024xf32>
    %get3A_281 = arith.constant 13 : index
    %get3A_282 = memref.load %arg2[%get3A_281] : memref<18xf32, #tpu.memory_space<smem>>
    %abs3A_283 = math.absf %get3A_280 : vector<64x1024xf32>
    %add3A_284 = arith.constant 1.000000e-10 : f32
    %add3A_285 = vector.broadcast %add3A_284 : f32 to vector<64x1024xf32>
    %add3A_286 = arith.addf %abs3A_283, %add3A_285 : vector<64x1024xf32>
    %log3A_287 = math.log %add3A_286 : vector<64x1024xf32>
    %sign3A_288 = tpu.bitcast %get3A_280 : vector<64x1024xf32> -> vector<64x1024xi32>
    %sign3A_289 = arith.constant -2147483648 : i32
    %sign3A_290 = vector.broadcast %sign3A_289 : i32 to vector<64x1024xi32>
    %sign3A_291 = arith.andi %sign3A_288, %sign3A_290 : vector<64x1024xi32>
    %sign3A_292 = arith.constant 1065353216 : i32
    %sign3A_293 = vector.broadcast %sign3A_292 : i32 to vector<64x1024xi32>
    %sign3A_294 = arith.ori %sign3A_293, %sign3A_291 : vector<64x1024xi32>
    %sign3A_295 = tpu.bitcast %sign3A_294 : vector<64x1024xi32> -> vector<64x1024xf32>
    %sign3A_296 = math.absf %get3A_280 : vector<64x1024xf32>
    %sign3A_297 = arith.constant 0.000000e+00 : f32
    %sign3A_298 = vector.broadcast %sign3A_297 : f32 to vector<64x1024xf32>
    %sign3A_299 = arith.cmpf ogt, %sign3A_296, %sign3A_298 : vector<64x1024xf32>
    %sign3A_300 = arith.select %sign3A_299, %sign3A_295, %get3A_280 : vector<64x1024xi1>, vector<64x1024xf32>
    %mul3A_301 = arith.mulf %log3A_287, %sign3A_300 : vector<64x1024xf32>
    %mul3A_302 = vector.broadcast %get3A_282 : f32 to vector<64x1024xf32>
    %mul3A_303 = arith.mulf %mul3A_302, %mul3A_301 : vector<64x1024xf32>
    %add3A_304 = arith.addf %add3A_275, %mul3A_303 : vector<64x1024xf32>
    %get3A_305 = arith.constant 14 : index
    %get3A_306 = memref.load %arg2[%get3A_305] : memref<18xf32, #tpu.memory_space<smem>>
    %get3A_307 = arith.constant 7 : index
    %get3A_308 = arith.constant 0 : index
    %get3A_309 = arith.constant 0 : index
    %get3A_310 = vector.load %arg1[%get3A_307, %get3A_308, %get3A_309] : memref<15x64x1024xf32, #tpu.memory_space<vmem>>, vector<1x64x1024xf32>
    %get3A_311 = vector.shape_cast %get3A_310 : vector<1x64x1024xf32> to vector<64x1024xf32>
    %sqrt3A = math.sqrt %get3A_311 : vector<64x1024xf32>
    %get3A_312 = arith.constant 6 : index
    %get3A_313 = arith.constant 0 : index
    %get3A_314 = arith.constant 0 : index
    %get3A_315 = vector.load %arg1[%get3A_312, %get3A_313, %get3A_314] : memref<15x64x1024xf32, #tpu.memory_space<vmem>>, vector<1x64x1024xf32>
    %get3A_316 = vector.shape_cast %get3A_315 : vector<1x64x1024xf32> to vector<64x1024xf32>
    %sqrt3A_317 = math.sqrt %get3A_316 : vector<64x1024xf32>
    %add3A_318 = arith.constant 1.000000e-10 : f32
    %add3A_319 = vector.broadcast %add3A_318 : f32 to vector<64x1024xf32>
    %add3A_320 = arith.addf %sqrt3A_317, %add3A_319 : vector<64x1024xf32>
    %div3A = arith.divf %sqrt3A, %add3A_320 : vector<64x1024xf32>
    %mul3A_321 = vector.broadcast %get3A_306 : f32 to vector<64x1024xf32>
    %mul3A_322 = arith.mulf %mul3A_321, %div3A : vector<64x1024xf32>
    %add3A_323 = arith.addf %add3A_304, %mul3A_322 : vector<64x1024xf32>
    %get3A_324 = arith.constant 15 : index
    %get3A_325 = memref.load %arg2[%get3A_324] : memref<18xf32, #tpu.memory_space<smem>>
    %get3A_326 = arith.constant 5 : index
    %get3A_327 = arith.constant 0 : index
    %get3A_328 = arith.constant 0 : index
    %get3A_329 = vector.load %arg1[%get3A_326, %get3A_327, %get3A_328] : memref<15x64x1024xf32, #tpu.memory_space<vmem>>, vector<1x64x1024xf32>
    %get3A_330 = vector.shape_cast %get3A_329 : vector<1x64x1024xf32> to vector<64x1024xf32>
    %cos3A = math.cos %get3A_330 : vector<64x1024xf32>
    %mul3A_331 = vector.broadcast %get3A_325 : f32 to vector<64x1024xf32>
    %mul3A_332 = arith.mulf %mul3A_331, %cos3A : vector<64x1024xf32>
    %add3A_333 = arith.addf %add3A_323, %mul3A_332 : vector<64x1024xf32>
    %get3A_334 = arith.constant 16 : index
    %get3A_335 = memref.load %arg2[%get3A_334] : memref<18xf32, #tpu.memory_space<smem>>
    %get3A_336 = arith.constant 5 : index
    %get3A_337 = arith.constant 0 : index
    %get3A_338 = arith.constant 0 : index
    %get3A_339 = vector.load %arg1[%get3A_336, %get3A_337, %get3A_338] : memref<15x64x1024xf32, #tpu.memory_space<vmem>>, vector<1x64x1024xf32>
    %get3A_340 = vector.shape_cast %get3A_339 : vector<1x64x1024xf32> to vector<64x1024xf32>
    %sin3A = math.sin %get3A_340 : vector<64x1024xf32>
    %mul3A_341 = vector.broadcast %get3A_335 : f32 to vector<64x1024xf32>
    %mul3A_342 = arith.mulf %mul3A_341, %sin3A : vector<64x1024xf32>
    %add3A_343 = arith.addf %add3A_333, %mul3A_342 : vector<64x1024xf32>
    %get3A_344 = arith.constant 17 : index
    %get3A_345 = memref.load %arg2[%get3A_344] : memref<18xf32, #tpu.memory_space<smem>>
    %add3A_346 = vector.broadcast %get3A_345 : f32 to vector<64x1024xf32>
    %add3A_347 = arith.addf %add3A_343, %add3A_346 : vector<64x1024xf32>
    %neg3A = arith.constant 0.000000e+00 : f32
    %neg3A_348 = vector.broadcast %neg3A : f32 to vector<64x1024xf32>
    %neg3A_349 = arith.subf %neg3A_348, %add3A_347 : vector<64x1024xf32>
    %exp3A = math.exp %neg3A_349 : vector<64x1024xf32>
    %add3A_350 = arith.constant 1.000000e+00 : f32
    %add3A_351 = vector.broadcast %add3A_350 : f32 to vector<64x1024xf32>
    %add3A_352 = arith.addf %add3A_351, %exp3A : vector<64x1024xf32>
    %div3A_353 = arith.constant 1.000000e+00 : f32
    %div3A_354 = vector.broadcast %div3A_353 : f32 to vector<64x1024xf32>
    %div3A_355 = arith.divf %div3A_354, %add3A_352 : vector<64x1024xf32>
    %swap3A = arith.constant 0 : index
    %swap3A_356 = arith.constant 0 : index
    %swap3A_357 = vector.load %arg3[%swap3A, %swap3A_356] : memref<64x1024xf32, #tpu.memory_space<vmem>>, vector<64x1024xf32>
    tpu.vector_store %arg3[%swap3A, %swap3A_356], %div3A_355 {strides = array<i32>} : memref<64x1024xf32, #tpu.memory_space<vmem>>, vector<64x1024xf32>,
    return
  }
  func.func @transform_0(%arg0: i32) -> (i32, i32, i32) {
    %c0_i32 = arith.constant 0 : i32
    %c0_i32_0 = arith.constant 0 : i32
    %c0_i32_1 = arith.constant 0 : i32
    return %c0_i32, %arg0, %c0_i32_0 : i32, i32, i32
  }
  func.func @transform_1(%arg0: i32) -> i32 {
    %c0_i32 = arith.constant 0 : i32
    %c0_i32_0 = arith.constant 0 : i32
    return %c0_i32 : i32
  }
  func.func @transform_2(%arg0: i32) -> (i32, i32) {
    %c0_i32 = arith.constant 0 : i32
    %c0_i32_0 = arith.constant 0 : i32
    return %arg0, %c0_i32 : i32, i32
  }
}

</mosaic_0001>

<sc_bundles>
// kernel: kernel.4.cloned.1.call-start
scs
__scs_entry_jumppad:
0x0: {  	(pc) =	sbr.rel $0x88, $3  }
0x1: {  	(tag) =	ssettag $0x0;
	lr =	simm.s32 $0x1  }
0x2: {  	[smem:$0x3F9C] =	sst lr;
	_ =	strace $0xD0000000  }
0x3: {  	_ = 	snop  }
0x4: {  	_ = 	snop  }
0x5: {  	_ = 	snop  }
0x6: {  	_ = 	snop  }
0x7: {  	_ = 	snop  }
__scs_overlays_trampoline_lowered:
0x8: {  	[smem:$0x3FAB] =	sst s0  }
0x9: {  	[smem:$0x3FAC] =	sst s1  }
0xa: {  	[smem:$0x3FAD] =	sst s2  }
0xb: {  	[smem:$0x3FAE] =	sst s3  }
0xc: {  	[smem:$0x3FAF] =	sst s4  }
0xd: {  	[smem:$0x3FB0] =	sst s5  }
0xe: {  	[smem:$0x3FB1] =	sst s6  }
0xf: {  	[smem:$0x3FB2] =	sst s7  }
0x10: {  	[smem:$0x3FB3] =	sst s8  }
0x11: {  	[smem:$0x3FB4] =	sst s9;
	s0 =	simm.s32 @!p0 $0x0  }
0x12: {  	s1 =	sld [smem:$0x3F9A];
	s0 =	simm.s32 @p0 $0x1  }
0x13: {  	[smem:$0x3FB5] =	sst s0;
	s0 =	simm.s32 @!p1 $0x0  }
0x14: {  	s2 =	sld [smem:$0x3F99];
	s0 =	simm.s32 @p1 $0x1  }
0x15: {  	[smem:$0x3FB6] =	sst s0;
	s0 =	simm.s32 @!p2 $0x0  }
0x16: {  	s3 =	sld [smem:$0x3FDB];
	s0 =	simm.s32 @p2 $0x1  }
0x17: {  	s4 =	simm.s32 $0x1BF5;
	[smem:$0x3FB8] =	sst s0  }
0x18: {  	s0 =	sld [smem:$0x3F9B];
	_ =	swait.ge [sflag:s4], $0x0  }
0x19: {  	s7 =	sld [smem:$0x3F9C]  }
0x1a: {  	s8 =	sadd.s32 $0xFFFFE003, lr  }
0x1b: {  	s9 =	sadd.s32 $0xFFFFFEF7, lr;
	s5 =	simm.s32 $0xFFFFFFFF;
	p2 =	slt.u32 s8, $0xFFFFF086  }
0x1c: {  	p1 =	slt.u32 s9, $0xF7A;
	s5 =	simm.s32 @!p2 $0x0  }
0x1d: {  	s5 =	simm.s32 @p1 $0x1;
	p0 =	seq.s32 s7, s2  }
0x1e: {  	s7 =	smul.u32 @!p0 $0xF7A, s2;
	p2 =	seq.s32 @!p0 s5, $0x0  }
0x1f: {  	s9 =	smul.u32 $0xF7A, s1;
	s8 =	simm.s32 @!p0 $0x1BF5;
	p2 =	por !p2, p0  }
0x20: {  	[sflag:s8] =	ssyncset.s32 @!p0 $0xFFFFF086;
	s6 =	sadd.s32 @!p0 s3, s7;
	s7 =	simm.s32 @!p0 $0x108  }
0x21: {  	s3 =	sadd.s32 s3, s9;
	s6 =	sadd.s32 @!p0 $0x88, s6;
	s7 =	simm.s32 @p2 $0x1082  }
0x22: {  	[simem:s7], [sflag:s8] =	dma.local @!p0 [hbm:s6], $0xF7A  }
0x23: {  	s9 =	sor.u32 $0xD0000000, s2;
	s6 =	simm.s32 $0x108;
	_ =	swait.ge @!p0 [sflag:s8], $0x0  }
0x24: {  	s3 =	sadd.s32 $0x88, s3;
	s6 =	simm.s32 @!p1 $0x1082;
	[sflag:s4] =	ssyncset.s32 $0xFFFFF086  }
0x25: {  	[simem:s6], [sflag:s4] =	dma.local [hbm:s3], $0xF7A  }
0x26: {  	[smem:$0x3F9C] =	sst s1;
	(tag) =	ssettag s2;
	_ =	strace s9  }
0x27: {  	s1 =	sld [smem:$0x3FAC]  }
0x28: {  	s2 =	sld [smem:$0x3FAD]  }
0x29: {  	s4 =	sld [smem:$0x3FAF]  }
0x2a: {  	p0 =	seq.s32 s5, $0x0;
	s5 =	sld [smem:$0x3FB0]  }
0x2b: {  	s6 =	sld [smem:$0x3FB1]  }
0x2c: {  	s7 =	sld [smem:$0x3FB2]  }
0x2d: {  	s3 =	simm.s32 $0x108;
	s8 =	sld [smem:$0x3FB3]  }
0x2e: {  	s3 =	simm.s32 @!p0 $0x1082;
	s9 =	sld [smem:$0x3FB4]  }
0x2f: {  	lr =	sadd.s32 s0, s3;
	s0 =	sld [smem:$0x3FAB]  }
0x30: {  	s3 =	sld [smem:$0x3FAE]  }
0x31: {  	[smem:$0x3FB7] =	sst s10  }
0x32: {  	s10 =	sld [smem:$0x3FB5];
	_ =	sdelay $0x3  }
0x33: {  	p0 =	seq.s32 s10, $0x1;
	s10 =	sld [smem:$0x3FB7];
	_ =	sdelay $0x3  }
0x34: {  	[smem:$0x3FB7] =	sst s10  }
0x35: {  	s10 =	sld [smem:$0x3FB6];
	_ =	sdelay $0x3  }
0x36: {  	p1 =	seq.s32 s10, $0x1;
	s10 =	sld [smem:$0x3FB7];
	_ =	sdelay $0x3  }
0x37: {  	[smem:$0x3FB7] =	sst s10  }
0x38: {  	s10 =	sld [smem:$0x3FB8]  }
0x39: {  	_ = 	snop;
	(pc) =	sbr.ind lr, $3  }
0x3a: {  	_ = 	snop  }
0x3b: {  	_ = 	snop  }
0x3c: {  	p2 =	seq.s32 s10, $0x1;
	s10 =	sld [smem:$0x3FB7]  }
0x3d: {  	_ =	shalt  }
0x3e: {  	_ =	shalt  }
0x3f: {  	_ =	shalt  }
0x40: {  	_ =	shalt  }
0x41: {  	_ =	shalt  }
0x42: {  	_ =	shalt  }
0x43: {  	_ =	shalt  }
0x44: {  	_ =	shalt  }
0x45: {  	_ =	shalt  }
0x46: {  	_ =	shalt  }
0x47: {  	_ =	shalt  }
0x48: {  	_ =	shalt  }
0x49: {  	_ =	shalt  }
0x4a: {  	_ =	shalt  }
0x4b: {  	_ =	shalt  }
0x4c: {  	_ =	shalt  }
0x4d: {  	_ =	shalt  }
0x4e: {  	_ =	shalt  }
0x4f: {  	_ =	shalt  }
0x50: {  	_ =	shalt  }
0x51: {  	_ =	shalt  }
0x52: {  	_ =	shalt  }
0x53: {  	_ =	shalt  }
0x54: {  	_ =	shalt  }
0x55: {  	_ =	shalt  }
0x56: {  	_ =	shalt  }
0x57: {  	_ =	shalt  }
0x58: {  	_ =	shalt  }
0x59: {  	_ =	shalt  }
0x5a: {  	_ =	shalt  }
0x5b: {  	_ =	shalt  }
0x5c: {  	_ =	shalt  }
0x5d: {  	_ =	shalt  }
0x5e: {  	_ =	shalt  }
0x5f: {  	_ =	shalt  }
0x60: {  	_ =	shalt  }
0x61: {  	_ =	shalt  }
0x62: {  	_ =	shalt  }
0x63: {  	_ =	shalt  }
0x64: {  	_ =	shalt  }
0x65: {  	_ =	shalt  }
0x66: {  	_ =	shalt  }
0x67: {  	_ =	shalt  }
0x68: {  	_ =	shalt  }
0x69: {  	_ =	shalt  }
0x6a: {  	_ =	shalt  }
0x6b: {  	_ =	shalt  }
0x6c: {  	_ =	shalt  }
0x6d: {  	_ =	shalt  }
0x6e: {  	_ =	shalt  }
0x6f: {  	_ =	shalt  }
0x70: {  	_ =	shalt  }
0x71: {  	_ =	shalt  }
0x72: {  	_ =	shalt  }
0x73: {  	_ =	shalt  }
0x74: {  	_ =	shalt  }
0x75: {  	_ =	shalt  }
0x76: {  	_ =	shalt  }
0x77: {  	_ =	shalt  }
0x78: {  	_ =	shalt  }
0x79: {  	_ =	shalt  }
0x7a: {  	_ =	shalt  }
0x7b: {  	_ =	shalt  }
0x7c: {  	_ =	shalt  }
0x7d: {  	_ =	shalt  }
0x7e: {  	_ =	shalt  }
0x7f: {  	_ =	shalt  }
0x80: {  	_ =	shalt  }
0x81: {  	_ =	shalt  }
0x82: {  	_ =	shalt  }
0x83: {  	_ =	shalt  }
0x84: {  	_ =	shalt  }
0x85: {  	_ =	shalt  }
0x86: {  	_ =	shalt  }
0x87: {  	_ =	shalt  }
.Lfunc_end0:
.L_simem_size_0:
called_computation.3_lowered:
.L_overlay_start_0:
0x88: {  	s2 =	sld [smem:$0x3FD9]  }
0x89: {  	s3 =	sld [smem:$0x3FFE];
	_ =	sdelay $0x1  }
0x8a: {  	s1 =	srdreg.scid  }
0x8b: {  	s0 =	sand.u32 $0x1, s1  }
0x8c: {  	s17 =	sshll.u32 s0, $0xA;
	s2 =	sadd.s32 s3, s2  }
0x8d: {  	s2 =	sadd.s32 s2, s17  }
0x8e: {  	[smem:$0x3FC3] =	sst s2  }
0x8f: {  	_ = 	snop  }
0x90: {  	s2 =	sld [smem:$0x3FD0];
	(tm) =	ssettm $0x1  }
0x91: {  	s18 =	sld [smem:$0x3FFB];
	_ =	sdelay $0x3  }
0x92: {  	_ =	strace s18  }
0x93: {  	s3 =	sld [smem:$0x3FFC];
	_ =	sdelay $0x3  }
0x94: {  	_ =	strace s3  }
0x95: {  	s3 =	sld [smem:$0x3FFD];
	_ =	sdelay $0x3  }
0x96: {  	_ =	strace s3  }
0x97: {  	_ =	strace $0x8FFFFFFF  }
0x98: {  	s19 =	sld [smem:$0x3FDB];
	_ =	sdelay $0x1  }
0x99: {  	s4 =	simm.s32 $_scs_section_size  }
0x9a: {  	s5 =	simm.s32 $_size__tile_overlayer_lowered;
	s6 =	simm.s32 $_tile_overlayer_lowered  }
0x9b: {  	s22 =	simm.s32 $0x1BFF;
	s21 =	sshll.u32 s6, $0x1;
	s3 =	sadd.s32 s4, s19  }
0x9c: {  	s7 =	simm.s32 $0x0;
	s20 =	sshll.u32 s5, $0x1;
	s5 =	sadd.s32 s21, s3  }
0x9d: {  	[timem:s7], [sflag:s22] =	dma.local [hbm:s5], s20  }
0x9e: {  	_ =	swait.ge [sflag:s22], s20  }
0x9f: {  	s4 =	ssub.s32 $0x0, s20;
	[sflag:s22] =	ssyncset.done $0x0  }
0xa0: {  	[sflag:s22] =	ssyncadd.s32 s4;
	_ =	sdelay $0x1  }
0xa1: {  	s23 =	simm.s32 $0x1B8B  }
0xa2: {  	_ =	swait.ge [sflag:s23], $0x1  }
0xa3: {  	[sflag:s23] =	ssyncset.done $0x0  }
0xa4: {  	s25 =	simm.s32 $0x1B8E;
	s24 =	sld [smem:$0x3FFE];
	[sflag:s23] =	ssyncadd.s32 $0xFFFFFFFF  }
0xa5: {  	s26 =	simm.s32 $execute0_lowered;
	[smem:$0x3FD2] =	sst s25  }
0xa6: {  	s5 =	sshll.u32 s26, $0x1;
	_ =	strace $0x8000004F;
	[dreg:$0x1] =	wrdreg $0xFFFFFFFF  }
0xa7: {  	s28 =	simm.s32 $_size_execute0_lowered;
	s3 =	sadd.s32 s3, s5;
	[dreg:$0x0] =	wrdreg $0x0  }
0xa8: {  	s5 =	sshll.u32 s28, $0x1;
	[dreg:$0x2] =	wrdreg s3  }
0xa9: {  	[dreg:$0x3] =	wrdreg s5  }
0xaa: {  	[dreg:$0x4] =	wrdreg $0xC0  }
0xab: {  	_ =	task [dreg:s7], $0x5FFFF  }
0xac: {  	[dreg:$0x1] =	wrdreg $0xFFFFFFFF  }
0xad: {  	[dreg:$0x0] =	wrdreg $0x60  }
0xae: {  	[dreg:$0x2] =	wrdreg s2  }
0xaf: {  	[dreg:$0x3] =	wrdreg s24  }
0xb0: {  	[dreg:$0x4] =	wrdreg $0x0  }
0xb1: {  	[dreg:$0x5] =	wrdreg $0x9  }
0xb2: {  	_ =	task.clear_ibuf [dreg:s7], $0x6FFFF;
	_ =	strace $0x9000004F  }
0xb3: {  	s29 =	simm.s32 $0x9;
	_ =	strace $0x80000051  }
0xb4: {  	_ =	swait.ge [sflag:s29], $0x1  }
0xb5: {  	[sflag:s29] =	ssyncadd.s32 $0xFFFFFFFF  }
0xb6: {  	_ =	strace $0x90000051  }
0xb7: {  	_ =	sfence  }
0xb8: {  	s30 =	sld [smem:$0x0];
	_ =	sdelay $0x2  }
0xb9: {  	s31 =	sshll.u32 s1, $0xD;
	s1 =	sshrl.u32 s1, $0x2  }
0xba: {  	s3 =	sand.u32 $0x4000, s31;
	s1 =	sadd.s32 s1, s30  }
0xbb: {  	s0 =	sor.u32 s3, s0;
	s1 =	sshll.u32 s1, $0x11  }
0xbc: {  	s0 =	sor.u32 s1, s0  }
0xbd: {  	s0 =	sadd.s32 $0x8F2B, s0  }
0xbe: {  	[sflag:s0] =	ssyncadd.remote.s32 $0x1  }
0xbf: {  	_ =	sfence.sel $0xFFFF  }
0xc0: {  	[dreg:$0x0] =	wrdreg $0xFFFFFFFF;
	(pc) =	sbr.abs _section_cstart, $3  }
0xc1: {  	[dreg:$0x1] =	wrdreg $0xFFFFFFFF  }
0xc2: {  	_ =	task.clear_ibuf [dreg:s7], $0x2FFFF;
	_ =	strace $0x9FFFFFFF  }
0xc3: {  	(tm) =	ssettm $0x7FFFFFFF  }
tec
execute0_lowered:
.L_overlay_start_1:
0x0: {  	(tag) =	ssettag $0x1  }
0x1: {  	s0 =	rddreg [dreg:$0x0]  }
0x2: {  	s2 =	rddreg [dreg:$0x1]  }
0x3: {  	s1 =	rddreg [dreg:$0x2];
	s3 =	simm.s32 $0x0  }
0x4: {  	s4 =	srdreg.scid;
	s11 =	stileid.u32;
	s28 =	simm.s32 $0x5  }
0x5: {  	s29 =	simm.s32 $0x2;
	s30 =	simm.s32 $0x4;
	s31 =	simm.s32 $0x1A000  }
0x6: {  	s18 =	simm.s32 $0x0;
	[smem:$0x7FF] =	sst s3;
	s5 =	sand.u32 $0x1, s4  }
0x7: {  	s6 =	sshll.u32 s11, $0x14;
	s4 =	sadd.s32 $0x201200, s2;
	s24 =	sshll.u32 s11, $0x10  }
0x8: {  	s25 =	sshll.u32 s11, $0xD;
	s26 =	sshll.u32 s11, $0x6;
	_ =	strace $0x80000050  }
0x9: {  	s7 =	sshll.u32 s5, $0x13;
	s8 =	ssub.s32 $0x2, s5;
	s0 =	sadd.s32 s0, s25  }
0xa: {  	s25 =	simm.s32 $0x2000;
	s5 =	sor.u32 s7, s6;
	s6 =	sadd.s32 $0x401200, s2  }
0xb: {  	s9 =	sshrl.u32 s8, $0x1;
	s7 =	sadd.s32 $0x1200, s2;
	[dreg:$0x8] =	wrdreg s0  }
0xc: {  	s0 =	sor.u32 $0x1C09, s26;
	s26 =	simm.s32 $0x18000;
	s2 =	simm.s32 $0x8  }
0xd: {  	s10 =	sshrl.u32 s5, $0x3;
	s19 =	ssub.s32 s8, s9;
	[dreg:$0x9] =	wrdreg s0  }
0xe: {  	s14 =	sor.u32 $0x4000, s5;
	s15 =	sor.u32 $0x6000, s5;
	s0 =	simm.s32 $0x7  }
0xf: {  	s20 =	sor.u32 $0x400, s10;
	s21 =	sadd.s32 s6, s10;
	s22 =	sadd.s32 s4, s10  }
.Ltmp0:
0x10: {  	s16 =	smax.u32 s19, $0x1;
	[dreg:$0x4] =	wrdreg s21;
	(pc) =	sbr.rel .LBB2_1-.Ltmp0, $4  }
0x11: {  	s19 =	simm.s32 $0x12000;
	[dreg:$0x5] =	wrdreg s22;
	s23 =	sadd.s32 s6, s20  }
0x12: {  	s8 =	sadd.s32 s4, s20;
	s20 =	simm.s32 $0x16000;
	[dreg:$0x6] =	wrdreg s23  }
0x13: {  	s22 =	simm.s32 $0x9;
	[dreg:$0x7] =	wrdreg s8;
	s8 =	sadd.s32 s24, s1  }
0x14: {  	s23 =	simm.s32 $0x1;
	s24 =	simm.s32 $0x3;
	s21 =	sshrl.u32 s8, $0x3  }
.LBB2_8:
0x15: {  	s18 =	sadd.s32 $0x1, s18  }
0x16: {  	_ =	swait.ge [sflag:s0], $0x2000;
	p0 =	sne.s32 s18, s16  }
.Ltmp1:
0x17: {  	[sflag:s0] =	ssyncset.done $0x0;
	(pc) =	sbr.rel @!p0 .LBB2_9-.Ltmp1, $4  }
0x18: {  	[sflag:s0] =	ssyncadd.s32 $0xFFFFE000  }
0x19: {  	_ =	swait.ge [sflag:s2], $0x2000  }
0x1a: {  	[sflag:s2] =	ssyncset.done $0x0  }
0x1b: {  	[sflag:s2] =	ssyncadd.s32 $0xFFFFE000  }
.LBB2_1:
0x1c: {  	s8 =	rddreg [dreg:$0x4]  }
0x1d: {  	s17 =	rddreg [dreg:$0x5]  }
0x1e: {  	s10 =	simm.s32 $0x10000;
	s11 =	rddreg [dreg:$0x6]  }
0x1f: {  	[tilespmem:s10], [sflag:$0x1] =	stream.linear.gather [hbm4b:s8+s3], $0x2000, $0x38;
	[tilespmem:$0x1C000] =	vst v63  }
0x20: {  	s9 =	simm.s32 $0x14000;
	s12 =	rddreg [dreg:$0x7]  }
0x21: {  	[tilespmem:s9], [sflag:$0x3] =	stream.linear.gather [hbm4b:s17+s3], $0x2000, $0x38;
	[tilespmem:$0x1C000] =	vst v63  }
0x22: {  	s13 =	rddreg [dreg:$0x8]  }
0x23: {  	[tilespmem:s19], [sflag:$0x2] =	stream.linear.gather [hbm4b:s11+s3], $0x2000, $0x38;
	[tilespmem:$0x1C000] =	vst v63  }
0x24: {  	s17 =	rddreg [dreg:$0x9]  }
0x25: {  	[tilespmem:s20], [sflag:$0x4] =	stream.linear.gather [hbm4b:s12+s3], $0x2000, $0x38;
	[tilespmem:$0x1C000] =	vst v63  }
0x26: {  	[spmem:s21], [sflag:s17] =	dma.local [hbm:s13], $0x2000  }
0x27: {  	_ =	swait.ge [sflag:s22], $0x2000  }
0x28: {  	[sflag:s22] =	ssyncset.done $0x0  }
0x29: {  	[sflag:s22] =	ssyncadd.s32 $0xFFFFE000  }
0x2a: {  	[bflag:$0x0] =	sbarrier.arrive $0xFFFF  }
0x2b: {  	_ =	swait.ge [sflag:s23], $0x2000  }
0x2c: {  	[sflag:s23] =	ssyncset.done $0x0  }
0x2d: {  	[sflag:s23] =	ssyncadd.s32 $0xFFFFE000  }
0x2e: {  	_ =	swait.ge [sflag:s24], $0x2000  }
0x2f: {  	[sflag:s24] =	ssyncset.done $0x0  }
0x30: {  	s8 =	simm.s32 $0x0;
	[sflag:s24] =	ssyncadd.s32 $0xFFFFE000  }
0x31: {  	[tilespmem:s26], [sflag:$0x5] =	stream.indirect.gather [spmem:s1], $0x1, s10, s25, $0xb8;
	[tilespmem:$0x1C000] =	vst v63  }
.LBB2_2:
0x32: {  	_ =	swait.ge [sflag:s28], $0x2000  }
0x33: {  	[sflag:s28] =	ssyncset.done $0x0  }
0x34: {  	[sflag:s28] =	ssyncadd.s32 $0xFFFFE000  }
0x35: {  	_ =	swait.ge [sflag:s29], $0x2000  }
0x36: {  	[sflag:s29] =	ssyncset.done $0x0  }
0x37: {  	[sflag:s29] =	ssyncadd.s32 $0xFFFFE000  }
0x38: {  	_ =	swait.ge [sflag:s30], $0x2000  }
0x39: {  	p0 =	seq.s32 s8, $0x0;
	[sflag:s30] =	ssyncset.done $0x0  }
0x3a: {  	s9 =	simm.s32 @!p0 $0x8;
	[sflag:s30] =	ssyncadd.s32 $0xFFFFE000  }
0x3b: {  	_ =	swait.ge @!p0 [sflag:s9], $0x2000  }
0x3c: {  	[sflag:s9] =	ssyncset.done @!p0 $0x0  }
0x3d: {  	s17 =	simm.s32 $0x18080;
	[sflag:s9] =	ssyncadd.s32 @!p0 $0xFFFFE000  }
0x3e: {  	[tilespmem:s31], [sflag:$0x6] =	stream.indirect.gather [spmem:s1], $0x1, s19, s25, $0xb8;
	[tilespmem:$0x1C000] =	vst v63  }
0x3f: {  	s10 =	simm.s32 $0x14080;
	v0 =	vld [tilespmem:s17+$0xFFFFFF80]  }
0x40: {  	v1 =	vld [tilespmem:s10+$0xFFFFFF80];
	_ =	sdelay $0x4  }
0x41: {  	v0 =	vmul.f32 v1, v0;
	_ =	sdelay $0x1  }
0x42: {  	[tilespmem:s17+$0xFFFFFF80] =	vst v0;
	v0 =	vld [tilespmem:s17+$0xFFFFFF90]  }
0x43: {  	v1 =	vld [tilespmem:s10+$0xFFFFFF90];
	_ =	sdelay $0x4  }
0x44: {  	v0 =	vmul.f32 v1, v0;
	_ =	sdelay $0x1  }
0x45: {  	[tilespmem:s17+$0xFFFFFF90] =	vst v0;
	v0 =	vld [tilespmem:s17+$0xFFFFFFA0]  }
0x46: {  	v1 =	vld [tilespmem:s10+$0xFFFFFFA0];
	_ =	sdelay $0x4  }
0x47: {  	v0 =	vmul.f32 v1, v0;
	_ =	sdelay $0x1  }
0x48: {  	[tilespmem:s17+$0xFFFFFFA0] =	vst v0;
	v0 =	vld [tilespmem:s17+$0xFFFFFFB0]  }
0x49: {  	v1 =	vld [tilespmem:s10+$0xFFFFFFB0];
	_ =	sdelay $0x4  }
0x4a: {  	v0 =	vmul.f32 v1, v0;
	_ =	sdelay $0x1  }
0x4b: {  	[tilespmem:s17+$0xFFFFFFB0] =	vst v0;
	v0 =	vld [tilespmem:s17+$0xFFFFFFC0]  }
0x4c: {  	v1 =	vld [tilespmem:s10+$0xFFFFFFC0];
	_ =	sdelay $0x4  }
0x4d: {  	v0 =	vmul.f32 v1, v0;
	_ =	sdelay $0x1  }
0x4e: {  	[tilespmem:s17+$0xFFFFFFC0] =	vst v0;
	v0 =	vld [tilespmem:s17+$0xFFFFFFD0]  }
0x4f: {  	v1 =	vld [tilespmem:s10+$0xFFFFFFD0];
	_ =	sdelay $0x4  }
0x50: {  	v0 =	vmul.f32 v1, v0;
	_ =	sdelay $0x1  }
0x51: {  	[tilespmem:s17+$0xFFFFFFD0] =	vst v0;
	v0 =	vld [tilespmem:s17+$0xFFFFFFE0]  }
0x52: {  	v1 =	vld [tilespmem:s10+$0xFFFFFFE0];
	_ =	sdelay $0x4  }
0x53: {  	v0 =	vmul.f32 v1, v0;
	_ =	sdelay $0x1  }
0x54: {  	[tilespmem:s17+$0xFFFFFFE0] =	vst v0;
	v0 =	vld [tilespmem:s17+$0xFFFFFFF0]  }
0x55: {  	v1 =	vld [tilespmem:s10+$0xFFFFFFF0];
	_ =	sdelay $0x4  }
0x56: {  	v0 =	vmul.f32 v1, v0;
	_ =	sdelay $0x1  }
0x57: {  	[tilespmem:s17+$0xFFFFFFF0] =	vst v0;
	v0 =	vld [tilespmem:s17+$0x0]  }
0x58: {  	v1 =	vld [tilespmem:s10+$0x0];
	_ =	sdelay $0x4  }
0x59: {  	v0 =	vmul.f32 v1, v0;
	_ =	sdelay $0x1  }
0x5a: {  	[tilespmem:s17+$0x0] =	vst v0;
	v0 =	vld [tilespmem:s17+$0x10]  }
0x5b: {  	v1 =	vld [tilespmem:s10+$0x10];
	_ =	sdelay $0x4  }
0x5c: {  	v0 =	vmul.f32 v1, v0;
	_ =	sdelay $0x1  }
0x5d: {  	[tilespmem:s17+$0x10] =	vst v0;
	v0 =	vld [tilespmem:s17+$0x20]  }
0x5e: {  	v1 =	vld [tilespmem:s10+$0x20];
	_ =	sdelay $0x4  }
0x5f: {  	v0 =	vmul.f32 v1, v0;
	_ =	sdelay $0x1  }
0x60: {  	[tilespmem:s17+$0x20] =	vst v0;
	v0 =	vld [tilespmem:s17+$0x30]  }
0x61: {  	v1 =	vld [tilespmem:s10+$0x30];
	_ =	sdelay $0x4  }
0x62: {  	v0 =	vmul.f32 v1, v0;
	_ =	sdelay $0x1  }
0x63: {  	[tilespmem:s17+$0x30] =	vst v0;
	v0 =	vld [tilespmem:s17+$0x40]  }
0x64: {  	v1 =	vld [tilespmem:s10+$0x40];
	_ =	sdelay $0x4  }
0x65: {  	v0 =	vmul.f32 v1, v0;
	_ =	sdelay $0x1  }
0x66: {  	[tilespmem:s17+$0x40] =	vst v0;
	v0 =	vld [tilespmem:s17+$0x50]  }
0x67: {  	v1 =	vld [tilespmem:s10+$0x50];
	_ =	sdelay $0x4  }
0x68: {  	v0 =	vmul.f32 v1, v0;
	_ =	sdelay $0x1  }
0x69: {  	[tilespmem:s17+$0x50] =	vst v0;
	v0 =	vld [tilespmem:s17+$0x60]  }
0x6a: {  	v1 =	vld [tilespmem:s10+$0x60];
	_ =	sdelay $0x4  }
0x6b: {  	v0 =	vmul.f32 v1, v0;
	_ =	sdelay $0x1  }
0x6c: {  	[tilespmem:s17+$0x60] =	vst v0;
	v0 =	vld [tilespmem:s17+$0x70]  }
0x6d: {  	v1 =	vld [tilespmem:s10+$0x70];
	_ =	sdelay $0x4  }
0x6e: {  	v0 =	vmul.f32 v1, v0  }
0x6f: {  	s11 =	simm.s32 $0x0;
	s12 =	simm.s32 $0x18180;
	s9 =	sshll.u32 s8, $0xE  }
.LBB2_3:
0x70: {  	v1 =	vld [tilespmem:s12+$0xFFFFFF80];
	[tilespmem:s17+$0x70] =	vst v0;
	s10 =	sadd.s32 $0x100, s10;
	s17 =	smov.u32 s12  }
0x71: {  	s11 =	sadd.s32 $0x10, s11;
	v0 =	vld [tilespmem:s10+$0xFFFFFF80]  }
0x72: {  	p0 =	slt.u32 s11, $0x1F0;
	_ =	sdelay $0x3  }
0x73: {  	v0 =	vmul.f32 v0, v1;
	_ =	sdelay $0x1  }
0x74: {  	[tilespmem:s12+$0xFFFFFF80] =	vst v0;
	v0 =	vld [tilespmem:s12+$0xFFFFFF90]  }
0x75: {  	v1 =	vld [tilespmem:s10+$0xFFFFFF90];
	_ =	sdelay $0x4  }
0x76: {  	v0 =	vmul.f32 v1, v0;
	_ =	sdelay $0x1  }
0x77: {  	[tilespmem:s12+$0xFFFFFF90] =	vst v0;
	v0 =	vld [tilespmem:s12+$0xFFFFFFA0]  }
0x78: {  	v1 =	vld [tilespmem:s10+$0xFFFFFFA0];
	_ =	sdelay $0x4  }
0x79: {  	v0 =	vmul.f32 v1, v0;
	_ =	sdelay $0x1  }
0x7a: {  	[tilespmem:s12+$0xFFFFFFA0] =	vst v0;
	v0 =	vld [tilespmem:s12+$0xFFFFFFB0]  }
0x7b: {  	v1 =	vld [tilespmem:s10+$0xFFFFFFB0];
	_ =	sdelay $0x4  }
0x7c: {  	v0 =	vmul.f32 v1, v0;
	_ =	sdelay $0x1  }
0x7d: {  	[tilespmem:s12+$0xFFFFFFB0] =	vst v0;
	v0 =	vld [tilespmem:s12+$0xFFFFFFC0]  }
0x7e: {  	v1 =	vld [tilespmem:s10+$0xFFFFFFC0];
	_ =	sdelay $0x4  }
0x7f: {  	v0 =	vmul.f32 v1, v0;
	_ =	sdelay $0x1  }
0x80: {  	[tilespmem:s12+$0xFFFFFFC0] =	vst v0;
	v0 =	vld [tilespmem:s12+$0xFFFFFFD0]  }
0x81: {  	v1 =	vld [tilespmem:s10+$0xFFFFFFD0];
	_ =	sdelay $0x4  }
0x82: {  	v0 =	vmul.f32 v1, v0;
	_ =	sdelay $0x1  }
0x83: {  	[tilespmem:s12+$0xFFFFFFD0] =	vst v0;
	v0 =	vld [tilespmem:s12+$0xFFFFFFE0]  }
0x84: {  	v1 =	vld [tilespmem:s10+$0xFFFFFFE0];
	_ =	sdelay $0x4  }
0x85: {  	v0 =	vmul.f32 v1, v0;
	_ =	sdelay $0x1  }
0x86: {  	[tilespmem:s12+$0xFFFFFFE0] =	vst v0;
	v0 =	vld [tilespmem:s12+$0xFFFFFFF0]  }
0x87: {  	v1 =	vld [tilespmem:s10+$0xFFFFFFF0];
	_ =	sdelay $0x4  }
0x88: {  	v0 =	vmul.f32 v1, v0;
	_ =	sdelay $0x1  }
0x89: {  	[tilespmem:s12+$0xFFFFFFF0] =	vst v0;
	v0 =	vld [tilespmem:s12+$0x0]  }
0x8a: {  	v1 =	vld [tilespmem:s10+$0x0];
	_ =	sdelay $0x4  }
0x8b: {  	v0 =	vmul.f32 v1, v0;
	_ =	sdelay $0x1  }
0x8c: {  	[tilespmem:s12+$0x0] =	vst v0;
	v0 =	vld [tilespmem:s12+$0x10]  }
0x8d: {  	v1 =	vld [tilespmem:s10+$0x10];
	_ =	sdelay $0x4  }
0x8e: {  	v0 =	vmul.f32 v1, v0;
	_ =	sdelay $0x1  }
0x8f: {  	[tilespmem:s12+$0x10] =	vst v0;
	v0 =	vld [tilespmem:s12+$0x20]  }
0x90: {  	v1 =	vld [tilespmem:s10+$0x20];
	_ =	sdelay $0x4  }
0x91: {  	v0 =	vmul.f32 v1, v0;
	_ =	sdelay $0x1  }
0x92: {  	[tilespmem:s12+$0x20] =	vst v0;
	v0 =	vld [tilespmem:s12+$0x30]  }
0x93: {  	v1 =	vld [tilespmem:s10+$0x30];
	_ =	sdelay $0x4  }
0x94: {  	v0 =	vmul.f32 v1, v0;
	_ =	sdelay $0x1  }
0x95: {  	[tilespmem:s12+$0x30] =	vst v0;
	v0 =	vld [tilespmem:s12+$0x40]  }
0x96: {  	v1 =	vld [tilespmem:s10+$0x40];
	_ =	sdelay $0x4  }
0x97: {  	v0 =	vmul.f32 v1, v0;
	_ =	sdelay $0x1  }
0x98: {  	[tilespmem:s12+$0x40] =	vst v0;
	v0 =	vld [tilespmem:s12+$0x50]  }
0x99: {  	v1 =	vld [tilespmem:s10+$0x50];
	_ =	sdelay $0x4  }
0x9a: {  	v0 =	vmul.f32 v1, v0;
	_ =	sdelay $0x1  }
0x9b: {  	[tilespmem:s12+$0x50] =	vst v0;
	v0 =	vld [tilespmem:s12+$0x60]  }
0x9c: {  	v1 =	vld [tilespmem:s10+$0x60];
	_ =	sdelay $0x4  }
0x9d: {  	v0 =	vmul.f32 v1, v0;
	_ =	sdelay $0x1  }
0x9e: {  	[tilespmem:s12+$0x60] =	vst v0;
	v0 =	vld [tilespmem:s12+$0x70]  }
0x9f: {  	v1 =	vld [tilespmem:s10+$0x70];
	_ =	sdelay $0x1  }
.Ltmp2:
0xa0: {  	(pc) =	sbr.rel @p0 .LBB2_3-.Ltmp2, $3  }
0xa1: {  	_ =	sdelay $0x1  }
0xa2: {  	v0 =	vmul.f32 v1, v0  }
0xa3: {  	s12 =	sadd.s32 $0x100, s12  }
0xa4: {  	s10 =	sor.u32 s5, s9  }
0xa5: {  	s10 =	sshrl.u32 s10, $0x3  }
0xa6: {  	[tilespmem:s17+$0x70] =	vst v0;
	p0 =	seq.s32 s8, $0x1F;
	s11 =	sadd.s32 s7, s10  }
0xa7: {  	[hbm4b:s11+s3] =	stream.linear.scatter [tilespmem:s26], [sflag:$0x7], $0x2000, $0x38;
	[tilespmem:$0x1C000] =	vst v63  }
0xa8: {  	s11 =	simm.s32 @p0 $0x6  }
0xa9: {  	_ =	swait.ge @p0 [sflag:s11], $0x2000  }
0xaa: {  	s12 =	sadd.s32 @!p0 s9, s14;
	[sflag:s11] =	ssyncset.done @p0 $0x0  }
0xab: {  	[sflag:s11] =	ssyncadd.s32 @p0 $0xFFFFE000;
	s11 =	sshrl.u32 @!p0 s12, $0x3  }
0xac: {  	s13 =	simm.s32 @!p0 $0x0;
	s17 =	simm.s32 @!p0 $0x10000;
	s12 =	sadd.s32 @!p0 s6, s11  }
0xad: {  	[tilespmem:s17], [sflag:$0x1] =	stream.linear.gather @!p0 [hbm4b:s12+s13], $0x2000, $0x38;
	[tilespmem:$0x1C000] =	vst v63  }
0xae: {  	s11 =	sadd.s32 @!p0 s4, s11;
	s12 =	simm.s32 @!p0 $0x14000  }
0xaf: {  	[tilespmem:s12], [sflag:$0x3] =	stream.linear.gather @!p0 [hbm4b:s11+s13], $0x2000, $0x38;
	[tilespmem:$0x1C000] =	vst v63  }
0xb0: {  	s11 =	simm.s32 @!p0 $0x6  }
0xb1: {  	_ =	swait.ge @!p0 [sflag:s11], $0x2000  }
0xb2: {  	[sflag:s11] =	ssyncset.done @!p0 $0x0  }
0xb3: {  	[sflag:s11] =	ssyncadd.s32 @!p0 $0xFFFFE000;
	s11 =	simm.s32 @!p0 $0x1  }
0xb4: {  	_ =	swait.ge @!p0 [sflag:s11], $0x2000  }
0xb5: {  	[sflag:s11] =	ssyncset.done @!p0 $0x0  }
0xb6: {  	[sflag:s11] =	ssyncadd.s32 @!p0 $0xFFFFE000;
	s11 =	simm.s32 @!p0 $0x3  }
0xb7: {  	_ =	swait.ge @!p0 [sflag:s11], $0x2000  }
0xb8: {  	[sflag:s11] =	ssyncset.done @!p0 $0x0  }
0xb9: {  	[sflag:s11] =	ssyncadd.s32 @!p0 $0xFFFFE000;
	s11 =	simm.s32 @!p0 $0x7  }
0xba: {  	_ =	swait.ge @!p0 [sflag:s11], $0x2000  }
0xbb: {  	[sflag:s11] =	ssyncset.done @!p0 $0x0  }
0xbc: {  	s12 =	simm.s32 @!p0 $0x18000;
	[sflag:s11] =	ssyncadd.s32 @!p0 $0xFFFFE000;
	s11 =	simm.s32 @!p0 $0x2000  }
0xbd: {  	[tilespmem:s12], [sflag:$0x5] =	stream.indirect.gather @!p0 [spmem:s1], $0x1, s17, s11, $0xb8;
	[tilespmem:$0x1C000] =	vst v63  }
0xbe: {  	s17 =	simm.s32 $0x1A080  }
0xbf: {  	s11 =	simm.s32 $0x16080;
	v0 =	vld [tilespmem:s17+$0xFFFFFF80]  }
0xc0: {  	v1 =	vld [tilespmem:s11+$0xFFFFFF80];
	_ =	sdelay $0x4  }
0xc1: {  	v0 =	vmul.f32 v1, v0;
	_ =	sdelay $0x1  }
0xc2: {  	[tilespmem:s17+$0xFFFFFF80] =	vst v0;
	v0 =	vld [tilespmem:s17+$0xFFFFFF90]  }
0xc3: {  	v1 =	vld [tilespmem:s11+$0xFFFFFF90];
	_ =	sdelay $0x4  }
0xc4: {  	v0 =	vmul.f32 v1, v0;
	_ =	sdelay $0x1  }
0xc5: {  	[tilespmem:s17+$0xFFFFFF90] =	vst v0;
	v0 =	vld [tilespmem:s17+$0xFFFFFFA0]  }
0xc6: {  	v1 =	vld [tilespmem:s11+$0xFFFFFFA0];
	_ =	sdelay $0x4  }
0xc7: {  	v0 =	vmul.f32 v1, v0;
	_ =	sdelay $0x1  }
0xc8: {  	[tilespmem:s17+$0xFFFFFFA0] =	vst v0;
	v0 =	vld [tilespmem:s17+$0xFFFFFFB0]  }
0xc9: {  	v1 =	vld [tilespmem:s11+$0xFFFFFFB0];
	_ =	sdelay $0x4  }
0xca: {  	v0 =	vmul.f32 v1, v0;
	_ =	sdelay $0x1  }
0xcb: {  	[tilespmem:s17+$0xFFFFFFB0] =	vst v0;
	v0 =	vld [tilespmem:s17+$0xFFFFFFC0]  }
0xcc: {  	v1 =	vld [tilespmem:s11+$0xFFFFFFC0];
	_ =	sdelay $0x4  }
0xcd: {  	v0 =	vmul.f32 v1, v0;
	_ =	sdelay $0x1  }
0xce: {  	[tilespmem:s17+$0xFFFFFFC0] =	vst v0;
	v0 =	vld [tilespmem:s17+$0xFFFFFFD0]  }
0xcf: {  	v1 =	vld [tilespmem:s11+$0xFFFFFFD0];
	_ =	sdelay $0x4  }
0xd0: {  	v0 =	vmul.f32 v1, v0;
	_ =	sdelay $0x1  }
0xd1: {  	[tilespmem:s17+$0xFFFFFFD0] =	vst v0;
	v0 =	vld [tilespmem:s17+$0xFFFFFFE0]  }
0xd2: {  	v1 =	vld [tilespmem:s11+$0xFFFFFFE0];
	_ =	sdelay $0x4  }
0xd3: {  	v0 =	vmul.f32 v1, v0;
	_ =	sdelay $0x1  }
0xd4: {  	[tilespmem:s17+$0xFFFFFFE0] =	vst v0;
	v0 =	vld [tilespmem:s17+$0xFFFFFFF0]  }
0xd5: {  	v1 =	vld [tilespmem:s11+$0xFFFFFFF0];
	_ =	sdelay $0x4  }
0xd6: {  	v0 =	vmul.f32 v1, v0;
	_ =	sdelay $0x1  }
0xd7: {  	[tilespmem:s17+$0xFFFFFFF0] =	vst v0;
	v0 =	vld [tilespmem:s17+$0x0]  }
0xd8: {  	v1 =	vld [tilespmem:s11+$0x0];
	_ =	sdelay $0x4  }
0xd9: {  	v0 =	vmul.f32 v1, v0;
	_ =	sdelay $0x1  }
0xda: {  	[tilespmem:s17+$0x0] =	vst v0;
	v0 =	vld [tilespmem:s17+$0x10]  }
0xdb: {  	v1 =	vld [tilespmem:s11+$0x10];
	_ =	sdelay $0x4  }
0xdc: {  	v0 =	vmul.f32 v1, v0;
	_ =	sdelay $0x1  }
0xdd: {  	[tilespmem:s17+$0x10] =	vst v0;
	v0 =	vld [tilespmem:s17+$0x20]  }
0xde: {  	v1 =	vld [tilespmem:s11+$0x20];
	_ =	sdelay $0x4  }
0xdf: {  	v0 =	vmul.f32 v1, v0;
	_ =	sdelay $0x1  }
0xe0: {  	[tilespmem:s17+$0x20] =	vst v0;
	v0 =	vld [tilespmem:s17+$0x30]  }
0xe1: {  	v1 =	vld [tilespmem:s11+$0x30];
	_ =	sdelay $0x4  }
0xe2: {  	v0 =	vmul.f32 v1, v0;
	_ =	sdelay $0x1  }
0xe3: {  	[tilespmem:s17+$0x30] =	vst v0;
	v0 =	vld [tilespmem:s17+$0x40]  }
0xe4: {  	v1 =	vld [tilespmem:s11+$0x40];
	_ =	sdelay $0x4  }
0xe5: {  	v0 =	vmul.f32 v1, v0;
	_ =	sdelay $0x1  }
0xe6: {  	[tilespmem:s17+$0x40] =	vst v0;
	v0 =	vld [tilespmem:s17+$0x50]  }
0xe7: {  	v1 =	vld [tilespmem:s11+$0x50];
	_ =	sdelay $0x4  }
0xe8: {  	v0 =	vmul.f32 v1, v0;
	_ =	sdelay $0x1  }
0xe9: {  	[tilespmem:s17+$0x50] =	vst v0;
	v0 =	vld [tilespmem:s17+$0x60]  }
0xea: {  	v1 =	vld [tilespmem:s11+$0x60];
	_ =	sdelay $0x4  }
0xeb: {  	v0 =	vmul.f32 v1, v0;
	_ =	sdelay $0x1  }
0xec: {  	[tilespmem:s17+$0x60] =	vst v0;
	v0 =	vld [tilespmem:s17+$0x70]  }
0xed: {  	v1 =	vld [tilespmem:s11+$0x70];
	_ =	sdelay $0x4  }
0xee: {  	v0 =	vmul.f32 v1, v0  }
0xef: {  	s13 =	simm.s32 $0x1A180;
	s12 =	simm.s32 $0x0  }
.LBB2_5:
0xf0: {  	v1 =	vld [tilespmem:s13+$0xFFFFFF80];
	[tilespmem:s17+$0x70] =	vst v0;
	s11 =	sadd.s32 $0x100, s11;
	s17 =	smov.u32 s13  }
0xf1: {  	s12 =	sadd.s32 $0x10, s12;
	v0 =	vld [tilespmem:s11+$0xFFFFFF80]  }
0xf2: {  	p1 =	slt.u32 s12, $0x1F0;
	_ =	sdelay $0x3  }
0xf3: {  	v0 =	vmul.f32 v0, v1;
	_ =	sdelay $0x1  }
0xf4: {  	[tilespmem:s13+$0xFFFFFF80] =	vst v0;
	v0 =	vld [tilespmem:s13+$0xFFFFFF90]  }
0xf5: {  	v1 =	vld [tilespmem:s11+$0xFFFFFF90];
	_ =	sdelay $0x4  }
0xf6: {  	v0 =	vmul.f32 v1, v0;
	_ =	sdelay $0x1  }
0xf7: {  	[tilespmem:s13+$0xFFFFFF90] =	vst v0;
	v0 =	vld [tilespmem:s13+$0xFFFFFFA0]  }
0xf8: {  	v1 =	vld [tilespmem:s11+$0xFFFFFFA0];
	_ =	sdelay $0x4  }
0xf9: {  	v0 =	vmul.f32 v1, v0;
	_ =	sdelay $0x1  }
0xfa: {  	[tilespmem:s13+$0xFFFFFFA0] =	vst v0;
	v0 =	vld [tilespmem:s13+$0xFFFFFFB0]  }
0xfb: {  	v1 =	vld [tilespmem:s11+$0xFFFFFFB0];
	_ =	sdelay $0x4  }
0xfc: {  	v0 =	vmul.f32 v1, v0;
	_ =	sdelay $0x1  }
0xfd: {  	[tilespmem:s13+$0xFFFFFFB0] =	vst v0;
	v0 =	vld [tilespmem:s13+$0xFFFFFFC0]  }
0xfe: {  	v1 =	vld [tilespmem:s11+$0xFFFFFFC0];
	_ =	sdelay $0x4  }
0xff: {  	v0 =	vmul.f32 v1, v0;
	_ =	sdelay $0x1  }
0x100: {  	[tilespmem:s13+$0xFFFFFFC0] =	vst v0;
	v0 =	vld [tilespmem:s13+$0xFFFFFFD0]  }
0x101: {  	v1 =	vld [tilespmem:s11+$0xFFFFFFD0];
	_ =	sdelay $0x4  }
0x102: {  	v0 =	vmul.f32 v1, v0;
	_ =	sdelay $0x1  }
0x103: {  	[tilespmem:s13+$0xFFFFFFD0] =	vst v0;
	v0 =	vld [tilespmem:s13+$0xFFFFFFE0]  }
0x104: {  	v1 =	vld [tilespmem:s11+$0xFFFFFFE0];
	_ =	sdelay $0x4  }
0x105: {  	v0 =	vmul.f32 v1, v0;
	_ =	sdelay $0x1  }
0x106: {  	[tilespmem:s13+$0xFFFFFFE0] =	vst v0;
	v0 =	vld [tilespmem:s13+$0xFFFFFFF0]  }
0x107: {  	v1 =	vld [tilespmem:s11+$0xFFFFFFF0];
	_ =	sdelay $0x4  }
0x108: {  	v0 =	vmul.f32 v1, v0;
	_ =	sdelay $0x1  }
0x109: {  	[tilespmem:s13+$0xFFFFFFF0] =	vst v0;
	v0 =	vld [tilespmem:s13+$0x0]  }
0x10a: {  	v1 =	vld [tilespmem:s11+$0x0];
	_ =	sdelay $0x4  }
0x10b: {  	v0 =	vmul.f32 v1, v0;
	_ =	sdelay $0x1  }
0x10c: {  	[tilespmem:s13+$0x0] =	vst v0;
	v0 =	vld [tilespmem:s13+$0x10]  }
0x10d: {  	v1 =	vld [tilespmem:s11+$0x10];
	_ =	sdelay $0x4  }
0x10e: {  	v0 =	vmul.f32 v1, v0;
	_ =	sdelay $0x1  }
0x10f: {  	[tilespmem:s13+$0x10] =	vst v0;
	v0 =	vld [tilespmem:s13+$0x20]  }
0x110: {  	v1 =	vld [tilespmem:s11+$0x20];
	_ =	sdelay $0x4  }
0x111: {  	v0 =	vmul.f32 v1, v0;
	_ =	sdelay $0x1  }
0x112: {  	[tilespmem:s13+$0x20] =	vst v0;
	v0 =	vld [tilespmem:s13+$0x30]  }
0x113: {  	v1 =	vld [tilespmem:s11+$0x30];
	_ =	sdelay $0x4  }
0x114: {  	v0 =	vmul.f32 v1, v0;
	_ =	sdelay $0x1  }
0x115: {  	[tilespmem:s13+$0x30] =	vst v0;
	v0 =	vld [tilespmem:s13+$0x40]  }
0x116: {  	v1 =	vld [tilespmem:s11+$0x40];
	_ =	sdelay $0x4  }
0x117: {  	v0 =	vmul.f32 v1, v0;
	_ =	sdelay $0x1  }
0x118: {  	[tilespmem:s13+$0x40] =	vst v0;
	v0 =	vld [tilespmem:s13+$0x50]  }
0x119: {  	v1 =	vld [tilespmem:s11+$0x50];
	_ =	sdelay $0x4  }
0x11a: {  	v0 =	vmul.f32 v1, v0;
	_ =	sdelay $0x1  }
0x11b: {  	[tilespmem:s13+$0x50] =	vst v0;
	v0 =	vld [tilespmem:s13+$0x60]  }
0x11c: {  	v1 =	vld [tilespmem:s11+$0x60];
	_ =	sdelay $0x4  }
0x11d: {  	v0 =	vmul.f32 v1, v0;
	_ =	sdelay $0x1  }
0x11e: {  	[tilespmem:s13+$0x60] =	vst v0;
	v0 =	vld [tilespmem:s13+$0x70]  }
0x11f: {  	v1 =	vld [tilespmem:s11+$0x70];
	_ =	sdelay $0x1  }
.Ltmp3:
0x120: {  	(pc) =	sbr.rel @p1 .LBB2_5-.Ltmp3, $3  }
0x121: {  	_ =	sdelay $0x1  }
0x122: {  	v0 =	vmul.f32 v1, v0  }
0x123: {  	s13 =	sadd.s32 $0x100, s13  }
.Ltmp4:
0x124: {  	(pc) =	sbr.rel @p0 .LBB2_8-.Ltmp4, $4  }
0x125: {  	_ = 	snop  }
0x126: {  	s10 =	sadd.s32 s10, s7  }
0x127: {  	[tilespmem:s17+$0x70] =	vst v0;
	s10 =	sadd.s32 $0x400, s10  }
0x128: {  	[hbm4b:s10+s3] =	stream.linear.scatter [tilespmem:s31], [sflag:$0x8], $0x2000, $0x38;
	[tilespmem:$0x1C000] =	vst v63  }
0x129: {  	s9 =	sadd.s32 s9, s15  }
.Ltmp5:
0x12a: {  	s9 =	sshrl.u32 s9, $0x3;
	(pc) =	sbr.rel .LBB2_2-.Ltmp5, $4  }
0x12b: {  	s10 =	sadd.s32 s6, s9  }
0x12c: {  	[tilespmem:s19], [sflag:$0x2] =	stream.linear.gather [hbm4b:s10+s3], $0x2000, $0x38;
	[tilespmem:$0x1C000] =	vst v63  }
0x12d: {  	s8 =	sadd.s32 $0x1, s8;
	s9 =	sadd.s32 s4, s9  }
0x12e: {  	[tilespmem:s20], [sflag:$0x4] =	stream.linear.gather [hbm4b:s9+s3], $0x2000, $0x38;
	[tilespmem:$0x1C000] =	vst v63  }
.LBB2_9:
0x12f: {  	_ =	sfence.sel $0x180000  }
0x130: {  	[bflag:$0x0] =	sbarrier.arrive $0xFFFF  }
0x131: {  	_ =	strace $0x90000050  }
0x132: {  	s0 =	stileid.u32;
	[bflag:$0x2] =	sbarrier.arrive $0xFFFF  }
0x133: {  	p0 =	sne.s32 s0, $0x0;
	s0 =	rddreg [dreg:$0x3]  }
0x134: {  	s0 =	sadd.s32 @!p0 $0x100000, s0  }
0x135: {  	[sflag:s0] =	ssyncadd.tile.s32 @!p0 $0x1;
	_ =	shalt  }
.Lfunc_end2:
_tile_overlayer_lowered:
.L_overlay_start_2:
0x136: {  	(tag) =	ssettag $0x2  }
0x137: {  	s0 =	rddreg [dreg:$0x0];
	s2 =	stileid.u32  }
0x138: {  	s1 =	rddreg [dreg:$0x1];
	p0 =	sne.s32 s2, $0x0  }
0x139: {  	s3 =	rddreg [dreg:$0x2];
	[bflag:$0x3] =	sbarrier.arrive $0xFFFF;
	s2 =	simm.s32 @!p0 $0x1C09  }
0x13a: {  	[timem:s3], [sflag:s2] =	dma.local @!p0 [hbm:s0], s1  }
0x13b: {  	s0 =	simm.s32 @!p0 $0x9  }
0x13c: {  	_ =	swait.ge @!p0 [sflag:s0], s1  }
0x13d: {  	s1 =	ssub.s32 @!p0 $0x0, s1;
	[sflag:s0] =	ssyncset.done @!p0 $0x0  }
0x13e: {  	[sflag:s0] =	ssyncadd.s32 @!p0 s1  }
0x13f: {  	[bflag:$0x3] =	sbarrier.arrive $0xFFFF  }
0x140: {  	_ =	shalt  }

// kernel: sparse-core-data-format-call.1.cloned.1.call-start
scs
called_computation.1_lowered:
.L_overlay_start_0:
0x0: {  	s2 =	sld [smem:$0x3FD9]  }
0x1: {  	s3 =	sld [smem:$0x3FFE];
	_ =	sdelay $0x1  }
0x2: {  	s1 =	srdreg.scid  }
0x3: {  	s0 =	sand.u32 $0x1, s1  }
0x4: {  	s18 =	sshll.u32 s0, $0xA;
	s2 =	sadd.s32 s3, s2  }
0x5: {  	s2 =	sadd.s32 s2, s18  }
0x6: {  	[smem:$0x3FC3] =	sst s2  }
0x7: {  	_ = 	snop  }
0x8: {  	s19 =	sld [smem:$0x3FC9];
	(tm) =	ssettm $0x1  }
0x9: {  	s20 =	sld [smem:$0x3FFB];
	_ =	sdelay $0x3  }
0xa: {  	_ =	strace s20  }
0xb: {  	s2 =	sld [smem:$0x3FFC];
	_ =	sdelay $0x3  }
0xc: {  	_ =	strace s2  }
0xd: {  	s2 =	sld [smem:$0x3FFD];
	_ =	sdelay $0x3  }
0xe: {  	_ =	strace s2  }
0xf: {  	_ =	strace $0x8FFFFFFF  }
0x10: {  	s21 =	sld [smem:$0x3FDB];
	_ =	sdelay $0x1  }
0x11: {  	s4 =	simm.s32 $_scs_section_size  }
0x12: {  	s5 =	simm.s32 $_size__tile_overlayer_lowered;
	s6 =	simm.s32 $_tile_overlayer_lowered  }
0x13: {  	s7 =	simm.s32 $0x1BFF;
	s22 =	sshll.u32 s6, $0x1;
	s4 =	sadd.s32 s4, s21  }
0x14: {  	s23 =	simm.s32 $0x0;
	s5 =	sshll.u32 s5, $0x1;
	s6 =	sadd.s32 s22, s4  }
0x15: {  	[timem:s23], [sflag:s7] =	dma.local [hbm:s6], s5  }
0x16: {  	_ =	swait.ge [sflag:s7], s5  }
0x17: {  	s5 =	ssub.s32 $0x0, s5;
	[sflag:s7] =	ssyncset.done $0x0  }
0x18: {  	[sflag:s7] =	ssyncadd.s32 s5;
	_ =	sdelay $0x1  }
0x19: {  	s24 =	simm.s32 $0x1B8B  }
0x1a: {  	_ =	swait.ge [sflag:s24], $0x1  }
0x1b: {  	[sflag:s24] =	ssyncset.done $0x0  }
0x1c: {  	[sflag:s24] =	ssyncadd.s32 $0xFFFFFFFF  }
0x1d: {  	s5 =	sld [smem:$0x0]  }
0x1e: {  	s6 =	sand.u32 $0xFFFFFFFE, s1  }
0x1f: {  	p0 =	sne.s32 s1, s6  }
0x20: {  	s6 =	sshll.u32 @p0 s6, $0xE  }
0x21: {  	s6 =	sadd.s32 @p0 $0x11B8D, s6;
	s7 =	sshll.u32 @p0 s5, $0x11  }
0x22: {  	s6 =	sor.u32 @p0 s7, s6  }
0x23: {  	[sflag:s6] =	ssyncadd.remote.s32 @p0 $0x1;
	_ =	sdelay $0x1  }
0x24: {  	s6 =	simm.s32 @p0 $0x1B8D  }
0x25: {  	_ =	swait.eq @p0 [sflag:s6], $0x1  }
0x26: {  	[sflag:s6] =	ssyncadd.s32 @p0 $0xFFFFFFFF  }
0x27: {  	s7 =	sshll.u32 @!p0 s1, $0xE  }
0x28: {  	s7 =	sor.u32 @!p0 $0x4000, s7;
	s6 =	simm.s32 @!p0 $0x1B8D  }
0x29: {  	s5 =	sshll.u32 @!p0 s5, $0x11;
	s7 =	sadd.s32 @!p0 $0x11B8D, s7;
	_ =	swait.eq @!p0 [sflag:s6], $0x1  }
0x2a: {  	s5 =	sor.u32 @!p0 s5, s7;
	[sflag:s6] =	ssyncadd.s32 @!p0 $0xFFFFFFFF  }
0x2b: {  	s26 =	simm.s32 $0x1B8E;
	s25 =	sld [smem:$0x3FFE];
	[sflag:s5] =	ssyncadd.remote.s32 @!p0 $0x1  }
0x2c: {  	s27 =	simm.s32 $execute0_lowered;
	[smem:$0x3FD2] =	sst s26  }
0x2d: {  	s6 =	sshll.u32 s27, $0x1;
	_ =	strace $0x80000049;
	[dreg:$0x1] =	wrdreg $0xFFFFFFFF  }
0x2e: {  	s28 =	simm.s32 $_size_execute0_lowered;
	s4 =	sadd.s32 s4, s6;
	[dreg:$0x0] =	wrdreg $0x0  }
0x2f: {  	s6 =	sshll.u32 s28, $0x1;
	[dreg:$0x2] =	wrdreg s4  }
0x30: {  	[dreg:$0x3] =	wrdreg s6  }
0x31: {  	[dreg:$0x4] =	wrdreg $0xC0  }
0x32: {  	_ =	task [dreg:s23], $0x5FFFF  }
0x33: {  	[dreg:$0x1] =	wrdreg $0xFFFFFFFF  }
0x34: {  	[dreg:$0x0] =	wrdreg $0x60  }
0x35: {  	[dreg:$0x2] =	wrdreg s19  }
0x36: {  	[dreg:$0x3] =	wrdreg s25  }
0x37: {  	[dreg:$0x4] =	wrdreg $0xA  }
0x38: {  	_ =	task.clear_ibuf [dreg:s23], $0x5FFFF;
	_ =	strace $0x90000049  }
0x39: {  	s29 =	simm.s32 $0xA;
	_ =	strace $0x8000004B  }
0x3a: {  	_ =	swait.ge [sflag:s29], $0x1  }
0x3b: {  	[sflag:s29] =	ssyncadd.s32 $0xFFFFFFFF  }
0x3c: {  	_ =	strace $0x9000004B  }
0x3d: {  	_ =	sfence  }
0x3e: {  	s30 =	sld [smem:$0x0];
	_ =	sdelay $0x2  }
0x3f: {  	s31 =	sshll.u32 s1, $0xD;
	s1 =	sshrl.u32 s1, $0x2  }
0x40: {  	s4 =	sand.u32 $0x4000, s31;
	s1 =	sadd.s32 s1, s30  }
0x41: {  	s0 =	sor.u32 s4, s0;
	s1 =	sshll.u32 s1, $0x11  }
0x42: {  	s0 =	sor.u32 s1, s0  }
0x43: {  	s0 =	sadd.s32 $0x8F2B, s0  }
0x44: {  	[sflag:s0] =	ssyncadd.remote.s32 $0x1  }
0x45: {  	_ =	sfence.sel $0xFFFF  }
0x46: {  	[dreg:$0x0] =	wrdreg $0xFFFFFFFF;
	(pc) =	sbr.abs _section_cstart, $3  }
0x47: {  	[dreg:$0x1] =	wrdreg $0xFFFFFFFF  }
0x48: {  	_ =	task.clear_ibuf [dreg:s23], $0x2FFFF;
	_ =	strace $0x9FFFFFFF  }
0x49: {  	(tm) =	ssettm $0x7FFFFFFF  }
tec
execute0_lowered:
.L_overlay_start_1:
0x0: {  	(tag) =	ssettag $0x1  }
0x1: {  	s2 =	rddreg [dreg:$0x0]  }
0x2: {  	s1 =	rddreg [dreg:$0x1]  }
0x3: {  	s0 =	rddreg [dreg:$0x2];
	_ =	strace $0x8000004A;
	s4 =	srdreg.scid  }
0x4: {  	s6 =	simm.s32 $0x2;
	s11 =	simm.s32 $0x0;
	p0 =	por $0x0, $0x0  }
.Ltmp0:
0x5: {  	s7 =	simm.s32 $0x1000;
	s12 =	simm.s32 $0x0;
	(pc) =	sbr.rel .LBB1_1-.Ltmp0, $4  }
0x6: {  	s9 =	simm.s32 $0x0;
	s3 =	sadd.s32 $0x201200, s1;
	s5 =	sshll.u32 s4, $0x4  }
0x7: {  	s1 =	stileid.u32;
	s4 =	simm.s32 $0x1;
	s5 =	sand.u32 $0x10, s5  }
0x8: {  	s8 =	simm.s32 $0x0;
	[sflag:s4] =	ssyncpa.u1 $0x0;
	s5 =	sor.u32 s1, s5  }
0x9: {  	[sflag:s6] =	ssyncpa.u1 $0x0;
	s6 =	simm.s32 $0x800;
	s10 =	smov.u32 s5  }
.LBB1_7:
0xa: {  	s13 =	sadd.s32 $0x10, s9  }
0xb: {  	s11 =	sadd.s32 $0x20, s10;
	s15 =	smov.u32 s10;
	p2 =	sgt.s32 s13, $0x1F  }
0xc: {  	p1 =	slt.u32 s8, $0x2;
	s15 =	smov.u32 @p2 s11  }
0xd: {  	s8 =	sadd.s32 $0x1, s8;
	s13 =	simm.s32 @p2 $0x0;
	p2 =	sgt.s32 s15, $0x1FF  }
0xe: {  	s15 =	smov.u32 @p2 s5;
	p2 =	sne.s32 s8, $0x22  }
.Ltmp1:
0xf: {  	_ = 	snop;
	(pc) =	sbr.rel @!p2 .LBB1_8-.Ltmp1, $4  }
0x10: {  	s14 =	simm.s32 @!p1 $0x2  }
0x11: {  	s12 =	smov.u32 s10;
	_ =	swait.ge @!p1 [sflag:s14], $0x4000  }
0x12: {  	p0 =	por !p0, !p0;
	s11 =	smov.u32 s9;
	[sflag:s14] =	ssyncset.done @!p1 $0x0  }
0x13: {  	s9 =	smov.u32 s13;
	[sflag:s14] =	ssyncadd.s32 @!p1 $0xFFFFC000;
	s10 =	smov.u32 s15  }
.LBB1_1:
0x14: {  	p1 =	sgt.u32 s8, $0x1F  }
0x15: {  	s13 =	sxor.u32 @!p1 $0xFFFFFFFF, s8;
	s14 =	sshll.u32 @!p1 s10, $0xC  }
0x16: {  	s15 =	sshll.u32 @!p1 s9, $0x7;
	s13 =	sshll.u32 @!p1 s13, $0xE;
	s14 =	sadd.s32 @!p1 s2, s14  }
0x17: {  	s13 =	sand.u32 @!p1 $0x4000, s13;
	s14 =	sadd.s32 @!p1 s15, s14;
	s15 =	simm.s32 @!p1 $0x0  }
0x18: {  	[tilespmem:s13], [sflag:$0x1] =	stream.linear.gather @!p1 [hbm4b:s14+s15], $0x4000, $0x38;
	[tilespmem:$0x10000] =	vst v63  }
0x19: {  	p1 =	seq.s32 s8, $0x0  }
0x1a: {  	p2 =	seq.s32 @!p1 s8, $0x21  }
0x1b: {  	p1 =	por p1, p2  }
.Ltmp2:
0x1c: {  	_ = 	snop;
	(pc) =	sbr.rel @p1 .LBB1_7-.Ltmp2, $1  }
0x1d: {  	_ =	sdelay $0x3  }
0x1e: {  	s13 =	simm.s32 $0x1;
	_ =	swait.ge [sflag:s4], $0x4000;
	s16 =	sshll.u32 s8, $0xE  }
0x1f: {  	s13 =	simm.s32 @!p0 $0x0;
	[sflag:s4] =	ssyncset.done $0x0;
	s31 =	sand.u32 $0x4000, s16  }
0x20: {  	s16 =	simm.s32 $0x0;
	s14 =	sshll.u32 s13, $0xE;
	[sflag:s4] =	ssyncadd.s32 $0xFFFFC000  }
0x21: {  	s13 =	sor.u32 $0x8040, s14;
	s15 =	sor.u32 $0x40, s14;
	s14 =	sor.u32 $0x8000, s31  }
.LBB1_3:
0x22: {  	v0 =	vmov s15;
	_ =	sdelay $0x3  }
0x23: {  	s18 =	simm.s32 $0x0  }
0x24: {  	v6 =	vld.idx.msk [tilespmem:v0+s18+$0x30 ss:$0x1], $0xffff  }
0x25: {  	v7 =	vld.idx.msk [tilespmem:v0+s18+$0xFFFFFFC0 ss:$0x1], $0xffff  }
0x26: {  	v5 =	vld.idx.msk [tilespmem:v0+s18+$0xFFFFFFD0 ss:$0x1], $0xffff  }
0x27: {  	v4 =	vld.idx.msk [tilespmem:v0+s18+$0xFFFFFFE0 ss:$0x1], $0xffff  }
0x28: {  	v3 =	vld.idx.msk [tilespmem:v0+s18+$0xFFFFFFF0 ss:$0x1], $0xffff  }
0x29: {  	v1 =	vld.idx.msk [tilespmem:v0+s18+$0x0 ss:$0x1], $0xffff  }
0x2a: {  	v2 =	vld.idx.msk [tilespmem:v0+s18+$0x10 ss:$0x1], $0xffff;
	[tilespmem:s13+$0x30] =	vst v6  }
0x2b: {  	s17 =	simm.s32 $0x80;
	s19 =	simm.s32 $0x400;
	[tilespmem:s13+$0xFFFFFFC0] =	vst v7;
	v6 =	vld.idx.msk [tilespmem:v0+s18+$0x20 ss:$0x1], $0xffff;
	s18 =	smov.u32 s13  }
.LBB1_4:
0x2c: {  	p1 =	sne.s32 s19, $0xE00;
	v7 =	vld.idx.msk [tilespmem:v0+s17+$0x30 ss:$0x1], $0xffff;
	[tilespmem:s18+$0xFFFFFFD0] =	vst v5  }
0x2d: {  	v8 =	vld.idx.msk [tilespmem:v0+s17+$0xFFFFFFC0 ss:$0x1], $0xffff;
	[tilespmem:s18+$0xFFFFFFE0] =	vst v4  }
0x2e: {  	v5 =	vld.idx.msk [tilespmem:v0+s17+$0xFFFFFFD0 ss:$0x1], $0xffff;
	[tilespmem:s18+$0xFFFFFFF0] =	vst v3  }
.Ltmp3:
0x2f: {  	v4 =	vld.idx.msk [tilespmem:v0+s17+$0xFFFFFFE0 ss:$0x1], $0xffff;
	[tilespmem:s18+$0x0] =	vst v1;
	(pc) =	sbr.rel @p1 .LBB1_4-.Ltmp3, $4  }
0x30: {  	v3 =	vld.idx.msk [tilespmem:v0+s17+$0xFFFFFFF0 ss:$0x1], $0xffff;
	[tilespmem:s18+$0x10] =	vst v2  }
0x31: {  	v1 =	vld.idx.msk [tilespmem:v0+s17+$0x0 ss:$0x1], $0xffff;
	[tilespmem:s18+$0x20] =	vst v6;
	s18 =	sadd.s32 $0x800, s18  }
0x32: {  	v2 =	vld.idx.msk [tilespmem:v0+s17+$0x10 ss:$0x1], $0xffff;
	[tilespmem:s18+$0x30] =	vst v7  }
0x33: {  	[tilespmem:s18+$0xFFFFFFC0] =	vst v8;
	v6 =	vld.idx.msk [tilespmem:v0+s17+$0x20 ss:$0x1], $0xffff;
	s17 =	sshra.s32 s19, $0x2;
	s19 =	sadd.s32 $0x200, s19  }
0x34: {  	_ =	sdelay $0x2  }
0x35: {  	[tilespmem:s18+$0xFFFFFFD0] =	vst v5  }
0x36: {  	v56 =	vld.idx.msk [tilespmem:v0+s17+$0x30 ss:$0x1], $0xffff;
	[tilespmem:s18+$0xFFFFFFE0] =	vst v4  }
0x37: {  	v57 =	vld.idx.msk [tilespmem:v0+s17+$0xFFFFFFC0 ss:$0x1], $0xffff;
	[tilespmem:s18+$0xFFFFFFF0] =	vst v3  }
0x38: {  	v58 =	vld.idx.msk [tilespmem:v0+s17+$0xFFFFFFD0 ss:$0x1], $0xffff;
	[tilespmem:s18+$0x0] =	vst v1  }
0x39: {  	v59 =	vld.idx.msk [tilespmem:v0+s17+$0xFFFFFFE0 ss:$0x1], $0xffff;
	[tilespmem:s18+$0x10] =	vst v2  }
0x3a: {  	v60 =	vld.idx.msk [tilespmem:v0+s17+$0xFFFFFFF0 ss:$0x1], $0xffff;
	s31 =	sadd.s32 $0x800, s18;
	[tilespmem:s18+$0x20] =	vst v6  }
0x3b: {  	v61 =	vld.idx.msk [tilespmem:v0+s17+$0x0 ss:$0x1], $0xffff;
	[tilespmem:s31+$0x30] =	vst v56  }
0x3c: {  	v62 =	vld.idx.msk [tilespmem:v0+s17+$0x10 ss:$0x1], $0xffff;
	s16 =	sadd.s32 $0x1, s16;
	[tilespmem:s31+$0xFFFFFFC0] =	vst v57  }
0x3d: {  	v63 =	vld.idx.msk [tilespmem:v0+s17+$0x20 ss:$0x1], $0xffff;
	p1 =	sne.s32 s16, $0x10;
	[tilespmem:s31+$0xFFFFFFD0] =	vst v58  }
.Ltmp4:
0x3e: {  	[tilespmem:s31+$0xFFFFFFE0] =	vst v59;
	(pc) =	sbr.rel @p1 .LBB1_3-.Ltmp4, $4  }
0x3f: {  	[tilespmem:s31+$0xFFFFFFF0] =	vst v60  }
0x40: {  	[tilespmem:s31+$0x0] =	vst v61  }
0x41: {  	[tilespmem:s31+$0x10] =	vst v62  }
0x42: {  	s13 =	sadd.s32 $0x80, s13;
	s15 =	sadd.s32 $0x400, s15;
	[tilespmem:s31+$0x20] =	vst v63  }
.Ltmp5:
0x43: {  	(pc) =	sbr.rel .LBB1_7-.Ltmp5, $4  }
0x44: {  	s12 =	sshll.u32 s12, $0xC;
	s11 =	sshll.u32 s11, $0x4  }
0x45: {  	s11 =	sand.u32 $0x1F0, s11;
	s12 =	sadd.s32 s3, s12  }
0x46: {  	s11 =	sadd.s32 s11, s12  }
0x47: {  	[hbm4b:s11+s6] =	stream.strided.scatter [tilespmem:s14], [sflag:$0x2], $0x4000, s7, s6, $0x38;
	[tilespmem:$0x10000] =	vst v63  }
.LBB1_8:
0x48: {  	_ =	sfence.sel $0x180000  }
0x49: {  	s2 =	simm.s32 $0x1;
	[bflag:$0x0] =	sbarrier.arrive $0xFFFF  }
0x4a: {  	s31 =	simm.s32 $0x2;
	[sflag:s2] =	ssyncpa.u1 $0x1  }
0x4b: {  	[sflag:s31] =	ssyncpa.u1 $0x1  }
0x4c: {  	p0 =	sne.s32 s1, $0x0;
	_ =	strace $0x9000004A  }
0x4d: {  	s0 =	sadd.s32 @!p0 $0x100000, s0;
	[bflag:$0x2] =	sbarrier.arrive $0xFFFF  }
0x4e: {  	[sflag:s0] =	ssyncadd.tile.s32 @!p0 $0x1;
	_ =	shalt  }
.Lfunc_end1:
_tile_overlayer_lowered:
.L_overlay_start_2:
0x4f: {  	(tag) =	ssettag $0x2  }
0x50: {  	s0 =	rddreg [dreg:$0x0];
	s2 =	stileid.u32  }
0x51: {  	s1 =	rddreg [dreg:$0x1];
	p0 =	sne.s32 s2, $0x0  }
0x52: {  	s3 =	rddreg [dreg:$0x2];
	[bflag:$0x3] =	sbarrier.arrive $0xFFFF;
	s2 =	simm.s32 @!p0 $0x1C01  }
0x53: {  	[timem:s3], [sflag:s2] =	dma.local @!p0 [hbm:s0], s1  }
0x54: {  	s0 =	simm.s32 @!p0 $0x1  }
0x55: {  	_ =	swait.ge @!p0 [sflag:s0], s1  }
0x56: {  	s1 =	ssub.s32 @!p0 $0x0, s1;
	[sflag:s0] =	ssyncset.done @!p0 $0x0  }
0x57: {  	[sflag:s0] =	ssyncadd.s32 @!p0 s1  }
0x58: {  	[bflag:$0x3] =	sbarrier.arrive $0xFFFF  }
0x59: {  	_ =	shalt  }

// kernel: sparse-core-data-format-call.2.cloned.1.call-start
scs
called_computation.2_lowered:
.L_overlay_start_0:
0x0: {  	s2 =	sld [smem:$0x3FD9]  }
0x1: {  	s3 =	sld [smem:$0x3FFE];
	_ =	sdelay $0x1  }
0x2: {  	s1 =	srdreg.scid  }
0x3: {  	s0 =	sand.u32 $0x1, s1  }
0x4: {  	s18 =	sshll.u32 s0, $0xA;
	s2 =	sadd.s32 s3, s2  }
0x5: {  	s2 =	sadd.s32 s2, s18  }
0x6: {  	[smem:$0x3FC3] =	sst s2  }
0x7: {  	_ = 	snop  }
0x8: {  	s2 =	sld [smem:$0x3FD0];
	(tm) =	ssettm $0x1  }
0x9: {  	s19 =	sld [smem:$0x3FFB];
	_ =	sdelay $0x3  }
0xa: {  	_ =	strace s19  }
0xb: {  	s3 =	sld [smem:$0x3FFC];
	_ =	sdelay $0x3  }
0xc: {  	_ =	strace s3  }
0xd: {  	s3 =	sld [smem:$0x3FFD];
	_ =	sdelay $0x3  }
0xe: {  	_ =	strace s3  }
0xf: {  	_ =	strace $0x8FFFFFFF  }
0x10: {  	s20 =	sld [smem:$0x3FDB];
	_ =	sdelay $0x1  }
0x11: {  	s4 =	simm.s32 $_scs_section_size  }
0x12: {  	s5 =	simm.s32 $_size__tile_overlayer_lowered;
	s6 =	simm.s32 $_tile_overlayer_lowered  }
0x13: {  	s23 =	simm.s32 $0x1BFF;
	s22 =	sshll.u32 s6, $0x1;
	s3 =	sadd.s32 s4, s20  }
0x14: {  	s7 =	simm.s32 $0x0;
	s21 =	sshll.u32 s5, $0x1;
	s5 =	sadd.s32 s22, s3  }
0x15: {  	[timem:s7], [sflag:s23] =	dma.local [hbm:s5], s21  }
0x16: {  	_ =	swait.ge [sflag:s23], s21  }
0x17: {  	s4 =	ssub.s32 $0x0, s21;
	[sflag:s23] =	ssyncset.done $0x0  }
0x18: {  	[sflag:s23] =	ssyncadd.s32 s4;
	_ =	sdelay $0x1  }
0x19: {  	s24 =	simm.s32 $0x1B8B  }
0x1a: {  	_ =	swait.ge [sflag:s24], $0x1  }
0x1b: {  	[sflag:s24] =	ssyncset.done $0x0  }
0x1c: {  	s26 =	simm.s32 $0x1B8E;
	s25 =	sld [smem:$0x3FFE];
	[sflag:s24] =	ssyncadd.s32 $0xFFFFFFFF  }
0x1d: {  	s27 =	simm.s32 $execute0_lowered;
	[smem:$0x3FD2] =	sst s26  }
0x1e: {  	s5 =	sshll.u32 s27, $0x1;
	_ =	strace $0x80000046;
	[dreg:$0x1] =	wrdreg $0xFFFFFFFF  }
0x1f: {  	s28 =	simm.s32 $_size_execute0_lowered;
	s3 =	sadd.s32 s3, s5;
	[dreg:$0x0] =	wrdreg $0x0  }
0x20: {  	s5 =	sshll.u32 s28, $0x1;
	[dreg:$0x2] =	wrdreg s3  }
0x21: {  	[dreg:$0x3] =	wrdreg s5  }
0x22: {  	[dreg:$0x4] =	wrdreg $0xC0  }
0x23: {  	_ =	task [dreg:s7], $0x5FFFF  }
0x24: {  	[dreg:$0x1] =	wrdreg $0xFFFFFFFF  }
0x25: {  	[dreg:$0x0] =	wrdreg $0x60  }
0x26: {  	[dreg:$0x2] =	wrdreg s2  }
0x27: {  	[dreg:$0x3] =	wrdreg s25  }
0x28: {  	[dreg:$0x4] =	wrdreg $0xB  }
0x29: {  	_ =	task.clear_ibuf [dreg:s7], $0x5FFFF;
	_ =	strace $0x90000046  }
0x2a: {  	s29 =	simm.s32 $0xB;
	_ =	strace $0x80000048  }
0x2b: {  	_ =	swait.ge [sflag:s29], $0x1  }
0x2c: {  	[sflag:s29] =	ssyncadd.s32 $0xFFFFFFFF  }
0x2d: {  	_ =	strace $0x90000048  }
0x2e: {  	_ =	sfence  }
0x2f: {  	s30 =	sld [smem:$0x0];
	_ =	sdelay $0x2  }
0x30: {  	s31 =	sshll.u32 s1, $0xD;
	s1 =	sshrl.u32 s1, $0x2  }
0x31: {  	s3 =	sand.u32 $0x4000, s31;
	s1 =	sadd.s32 s1, s30  }
0x32: {  	s0 =	sor.u32 s3, s0;
	s1 =	sshll.u32 s1, $0x11  }
0x33: {  	s0 =	sor.u32 s1, s0  }
0x34: {  	s0 =	sadd.s32 $0x8F2B, s0  }
0x35: {  	[sflag:s0] =	ssyncadd.remote.s32 $0x1  }
0x36: {  	_ =	sfence.sel $0xFFFF  }
0x37: {  	[dreg:$0x0] =	wrdreg $0xFFFFFFFF;
	(pc) =	sbr.abs _section_cstart, $3  }
0x38: {  	[dreg:$0x1] =	wrdreg $0xFFFFFFFF  }
0x39: {  	_ =	task.clear_ibuf [dreg:s7], $0x2FFFF;
	_ =	strace $0x9FFFFFFF  }
0x3a: {  	(tm) =	ssettm $0x7FFFFFFF  }
0x3b: {  	_ =	shalt  }
tec
execute0_lowered:
.L_overlay_start_1:
0x0: {  	(tag) =	ssettag $0x1  }
0x1: {  	s2 =	stileid.u32  }
0x2: {  	s0 =	srdreg.scid;
	s3 =	rddreg [dreg:$0x0]  }
0x3: {  	s7 =	rddreg [dreg:$0x1];
	_ =	strace $0x80000047;
	s31 =	simm.s32 $0x2  }
0x4: {  	s16 =	simm.s32 $0x0;
	s1 =	sshll.u32 s2, $0x2;
	s0 =	sshll.u32 s0, $0x6  }
0x5: {  	s9 =	simm.s32 $0x100000;
	s10 =	simm.s32 $0x0;
	s0 =	sor.u32 s1, s0  }
0x6: {  	s17 =	simm.s32 $0x0;
	s19 =	simm.s32 $0x0;
	s1 =	sand.u32 $0x78, s0  }
0x7: {  	s18 =	simm.s32 $0x0;
	s2 =	sand.u32 $0x1, s2;
	s0 =	ssub.s32 $0x400, s1  }
0x8: {  	s11 =	simm.s32 $0x0;
	s4 =	ssub.s32 $0x2, s2;
	s5 =	sand.u32 $0x78, s0  }
0x9: {  	s6 =	sshrl.u32 s4, $0x1;
	p0 =	sne.s32 s5, $0x0;
	s5 =	simm.s32 $0x1  }
0xa: {  	s4 =	sand.u32 $0x1, s4;
	s0 =	sshrl.u32 s0, $0x7;
	s5 =	simm.s32 @!p0 $0x0  }
.Ltmp0:
0xb: {  	s4 =	sadd.s32 s4, s6;
	s0 =	sadd.s32 s5, s0;
	(pc) =	sbr.rel .LBB1_1-.Ltmp0, $4  }
0xc: {  	s12 =	simm.s32 $0x0;
	s15 =	simm.s32 $0x0;
	s0 =	smul.u32 s0, s4  }
0xd: {  	s25 =	simm.s32 $0x0;
	s7 =	sadd.s32 $0x1200, s7;
	s5 =	simm.s32 $0x1  }
0xe: {  	s14 =	smov.u32 s2;
	[sflag:s5] =	ssyncpa.u1 $0x0;
	s6 =	sshll.u32 s0, $0x2  }
0xf: {  	s13 =	smov.u32 s1;
	[sflag:s31] =	ssyncpa.u1 $0x0;
	s8 =	sor.u32 $0x1, s6  }
.LBB1_7:
0x10: {  	s0 =	sadd.s32 $0x100, s11  }
0x11: {  	s4 =	sadd.s32 $0x8, s12;
	s20 =	smov.u32 s12;
	p1 =	sgt.s32 s0, $0x3FF  }
0x12: {  	s20 =	smov.u32 @p1 s4  }
0x13: {  	s21 =	smov.u32 s13;
	s4 =	sadd.s32 $0x80, s13;
	p2 =	sgt.s32 s20, $0x7  }
0x14: {  	s21 =	smov.u32 @p2 s4  }
0x15: {  	s22 =	smov.u32 s14;
	s4 =	sadd.s32 $0x2, s14;
	p3 =	sgt.s32 s21, $0x3FF  }
0x16: {  	p0 =	slt.u32 s15, $0x2;
	s22 =	smov.u32 @p3 s4  }
0x17: {  	s16 =	smov.u32 s11;
	s0 =	simm.s32 @p1 $0x0;
	p1 =	sgt.s32 s22, $0x1  }
0x18: {  	s17 =	smov.u32 s12;
	s22 =	smov.u32 @p1 s2;
	p1 =	sne.s32 s15, s8  }
.Ltmp1:
0x19: {  	s19 =	smov.u32 s13;
	s18 =	smov.u32 s14;
	(pc) =	sbr.rel @!p1 .LBB1_8-.Ltmp1, $4  }
0x1a: {  	s10 =	sadd.s32 $0x4000, s10;
	s11 =	smov.u32 s0;
	s4 =	simm.s32 @!p0 $0x2  }
0x1b: {  	s20 =	simm.s32 @p2 $0x0;
	s21 =	smov.u32 @p3 s1;
	_ =	swait.ge @!p0 [sflag:s4], $0x4000  }
0x1c: {  	s12 =	smov.u32 s20;
	s13 =	smov.u32 s21;
	[sflag:s4] =	ssyncset.done @!p0 $0x0  }
0x1d: {  	s15 =	sadd.s32 $0x1, s15;
	[sflag:s4] =	ssyncadd.s32 @!p0 $0xFFFFC000;
	s14 =	smov.u32 s22  }
.LBB1_1:
0x1e: {  	p0 =	sge.u32 s15, s6  }
0x1f: {  	s31 =	sadd.s32 $0xFFFFFFFF, s15;
	s0 =	sxor.u32 @!p0 $0xFFFFFFFF, s15  }
0x20: {  	s4 =	sshll.u32 @!p0 s12, $0x7;
	s20 =	sand.u32 @!p0 $0x78, s11;
	s21 =	sshll.u32 @!p0 s14, $0x14  }
0x21: {  	s22 =	sand.u32 @!p0 $0x380, s11;
	s0 =	sshll.u32 @!p0 s0, $0xE;
	s4 =	sand.u32 @!p0 $0x380, s4  }
0x22: {  	s21 =	sadd.s32 @!p0 s3, s21;
	s4 =	sor.u32 @!p0 s20, s4;
	s20 =	sshll.u32 @!p0 s13, $0xA  }
0x23: {  	s0 =	sand.u32 @!p0 $0x4000, s0;
	s20 =	sadd.s32 @!p0 s20, s21;
	s21 =	sand.u32 @!p0 $0x7, s11  }
0x24: {  	s4 =	sshrl.u32 @!p0 s4, $0x3;
	s20 =	sadd.s32 @!p0 s22, s20;
	s21 =	sshll.u32 @!p0 s21, $0x12  }
0x25: {  	s4 =	sadd.s32 @!p0 s4, s20;
	s20 =	sor.u32 @!p0 $0x800, s21;
	s21 =	simm.s32 @!p0 $0x2000  }
0x26: {  	[tilespmem:s0], [sflag:$0x1] =	stream.strided.gather @!p0 [hbm4b:s4+s20], $0x4000, s21, s20, $0x38;
	[tilespmem:$0x10000] =	vst v63  }
0x27: {  	p0 =	sge.u32 s31, s6  }
.Ltmp2:
0x28: {  	_ = 	snop;
	(pc) =	sbr.rel @p0 .LBB1_7-.Ltmp2, $1  }
0x29: {  	_ =	sdelay $0x3  }
0x2a: {  	s0 =	sshll.u32 s10, $0x2;
	_ =	swait.ge [sflag:s5], $0x4000;
	s4 =	sshll.u32 s15, $0xE  }
0x2b: {  	p0 =	por $0x0, $0x0;
	s26 =	simm.s32 $0x0;
	s27 =	simm.s32 $0x0  }
0x2c: {  	s0 =	sand.u32 $0x10000, s0;
	[sflag:s5] =	ssyncset.done $0x0;
	s23 =	sand.u32 $0x4000, s4  }
0x2d: {  	s0 =	sshrl.u32 s0, $0x2;
	[sflag:s5] =	ssyncadd.s32 $0xFFFFC000;
	s20 =	sor.u32 $0x8000, s23  }
0x2e: {  	s21 =	sor.u32 $0x40, s0;
	s22 =	sor.u32 $0x8410, s0;
	s24 =	sadd.s32 $0x8400, s0  }
.LBB1_3:
0x2f: {  	v1 =	vld [tilespmem:s21+$0xFFFFFFD0]  }
0x30: {  	v2 =	vld [tilespmem:s21+$0x430]  }
0x31: {  	s0 =	sshll.u32 s27, $0xB;
	v4 =	vld [tilespmem:s21+$0xFFFFFFE0]  }
0x32: {  	v7 =	vld [tilespmem:s21+$0xFFFFFFF0];
	v0 =	vmov s0  }
0x33: {  	v8 =	vld [tilespmem:s21+$0x0]  }
0x34: {  	v9 =	vld [tilespmem:s21+$0x10];
	s0 =	sand.u32 $0x300, s25  }
0x35: {  	s4 =	sand.u32 $0x80, s25;
	v10 =	vld [tilespmem:s21+$0x20];
	s0 =	sadd.s32 s0, s23  }
0x36: {  	v11 =	vld [tilespmem:s21+$0x30];
	s0 =	sadd.s32 s4, s0;
	s4 =	simm.s32 $0x1;
	[tilespmem:s22+$0x60] =	vst v2  }
0x37: {  	s4 =	simm.s32 @!p0 $0x0;
	[tilespmem:s22+$0xFFFFFC00] =	vst v1;
	v3 =	vld.idx.msk [tilespmem:v0+s0+$0x400 ss:$0x1], $0xffff;
	s0 =	sshll.u32 s26, $0x2  }
0x38: {  	v6 =	vld [tilespmem:s21+$0x3D0];
	s4 =	sshll.u32 s4, $0x9;
	[tilespmem:s22+$0xFFFFFC10] =	vst v4;
	s0 =	sand.u32 $0xFFFFFC00, s0  }
0x39: {  	v5 =	vld [tilespmem:s21+$0x3E0];
	[tilespmem:s22+$0xFFFFFC20] =	vst v7;
	s0 =	sor.u32 s4, s0  }
0x3a: {  	[tilespmem:s22+$0xFFFFFC30] =	vst v8;
	v4 =	vld [tilespmem:s21+$0x400];
	s0 =	sshrl.u32 s0, $0x2  }
0x3b: {  	[tilespmem:s22+$0xFFFFFC40] =	vst v9;
	v1 =	vld [tilespmem:s21+$0x410];
	s28 =	sadd.s32 s0, s24  }
0x3c: {  	[tilespmem:s28+$0x0] =	vst v3;
	v3 =	vld [tilespmem:s21+$0x3F0]  }
0x3d: {  	s31 =	simm.s32 $0x100;
	[tilespmem:s22+$0xFFFFFC50] =	vst v10;
	v2 =	vld [tilespmem:s21+$0x420];
	s4 =	simm.s32 $0x80  }
0x3e: {  	s29 =	sadd.s32 $0x80, s21;
	s30 =	smov.u32 s22;
	v7 =	vld [tilespmem:s21+$0xFFFFFFC0];
	[tilespmem:s22+$0xFFFFFC60] =	vst v11;
	s0 =	sand.u32 $0x300, s4  }
.LBB1_4:
0x3f: {  	p1 =	sne.s32 s31, $0x380;
	v8 =	vld [tilespmem:s29+$0xFFFFFFD0];
	s4 =	sand.u32 $0x80, s4;
	s0 =	sadd.s32 s0, s23;
	[tilespmem:s30+$0x0] =	vst v6  }
0x40: {  	s0 =	sadd.s32 s4, s0;
	v6 =	vld [tilespmem:s29+$0x430];
	[tilespmem:s30+$0x10] =	vst v5;
	s4 =	smov.u32 s31  }
0x41: {  	v5 =	vld.idx.msk [tilespmem:v0+s0+$0x400 ss:$0x1], $0xffff;
	[tilespmem:s30+$0x20] =	vst v3  }
0x42: {  	v3 =	vld [tilespmem:s29+$0xFFFFFFE0];
	[tilespmem:s30+$0x30] =	vst v4  }
0x43: {  	v4 =	vld [tilespmem:s29+$0xFFFFFFF0];
	[tilespmem:s30+$0xFFFFFBF0] =	vst v7  }
0x44: {  	v7 =	vld [tilespmem:s29+$0x0];
	[tilespmem:s30+$0x40] =	vst v1  }
0x45: {  	v1 =	vld [tilespmem:s29+$0x10];
	[tilespmem:s30+$0x50] =	vst v2;
	s30 =	sadd.s32 $0x800, s30  }
0x46: {  	s28 =	sadd.s32 $0x800, s28;
	v2 =	vld [tilespmem:s29+$0x20];
	[tilespmem:s30+$0x60] =	vst v6  }
0x47: {  	v9 =	vld [tilespmem:s29+$0x30];
	[tilespmem:s28+$0x0] =	vst v5  }
0x48: {  	[tilespmem:s30+$0xFFFFFC00] =	vst v8;
	v6 =	vld [tilespmem:s29+$0x3D0]  }
0x49: {  	[tilespmem:s30+$0xFFFFFC10] =	vst v3;
	v5 =	vld [tilespmem:s29+$0x3E0]  }
.Ltmp3:
0x4a: {  	[tilespmem:s30+$0xFFFFFC20] =	vst v4;
	v3 =	vld [tilespmem:s29+$0x3F0];
	(pc) =	sbr.rel @p1 .LBB1_4-.Ltmp3, $4  }
0x4b: {  	[tilespmem:s30+$0xFFFFFC30] =	vst v7;
	v4 =	vld [tilespmem:s29+$0x400]  }
0x4c: {  	[tilespmem:s30+$0xFFFFFC40] =	vst v1;
	v1 =	vld [tilespmem:s29+$0x410]  }
0x4d: {  	[tilespmem:s30+$0xFFFFFC50] =	vst v2;
	v2 =	vld [tilespmem:s29+$0x420]  }
0x4e: {  	s31 =	sadd.s32 $0x80, s31;
	s0 =	sand.u32 $0x300, s4;
	v7 =	vld [tilespmem:s29+$0xFFFFFFC0];
	[tilespmem:s30+$0xFFFFFC60] =	vst v9;
	s29 =	sadd.s32 $0x80, s29  }
0x4f: {  	[tilespmem:s30+$0x0] =	vst v6  }
0x50: {  	[tilespmem:s30+$0x10] =	vst v5  }
0x51: {  	v49 =	vld [tilespmem:s29+$0x430];
	[tilespmem:s30+$0x20] =	vst v3  }
0x52: {  	v50 =	vld [tilespmem:s29+$0xFFFFFFD0];
	[tilespmem:s30+$0x30] =	vst v4  }
0x53: {  	v51 =	vld [tilespmem:s29+$0xFFFFFFE0];
	[tilespmem:s30+$0x40] =	vst v1  }
0x54: {  	v52 =	vld [tilespmem:s29+$0xFFFFFFF0];
	[tilespmem:s30+$0x50] =	vst v2  }
0x55: {  	v53 =	vld [tilespmem:s29+$0x0];
	[tilespmem:s30+$0xFFFFFBF0] =	vst v7;
	s30 =	sadd.s32 $0x800, s30  }
0x56: {  	v54 =	vld [tilespmem:s29+$0x10];
	[tilespmem:s30+$0x60] =	vst v49  }
0x57: {  	v55 =	vld [tilespmem:s29+$0x20];
	[tilespmem:s30+$0xFFFFFC00] =	vst v50  }
0x58: {  	v56 =	vld [tilespmem:s29+$0x30];
	[tilespmem:s30+$0xFFFFFC10] =	vst v51  }
0x59: {  	v57 =	vld [tilespmem:s29+$0x3D0];
	[tilespmem:s30+$0xFFFFFC20] =	vst v52  }
0x5a: {  	v58 =	vld [tilespmem:s29+$0x3E0];
	[tilespmem:s30+$0xFFFFFC30] =	vst v53  }
0x5b: {  	v59 =	vld [tilespmem:s29+$0x3F0];
	[tilespmem:s30+$0xFFFFFC40] =	vst v54  }
0x5c: {  	v60 =	vld [tilespmem:s29+$0x400];
	[tilespmem:s30+$0xFFFFFC50] =	vst v55  }
0x5d: {  	v61 =	vld [tilespmem:s29+$0xFFFFFFC0];
	[tilespmem:s30+$0xFFFFFC60] =	vst v56  }
0x5e: {  	s4 =	sand.u32 $0x80, s4;
	s0 =	sadd.s32 s0, s23;
	v62 =	vld [tilespmem:s29+$0x410];
	[tilespmem:s30+$0x0] =	vst v57  }
0x5f: {  	v63 =	vld [tilespmem:s29+$0x420];
	s27 =	sadd.s32 $0x1, s27;
	s0 =	sadd.s32 s4, s0;
	[tilespmem:s30+$0x10] =	vst v58  }
0x60: {  	p1 =	sne.s32 s27, $0x8;
	v0 =	vld.idx.msk [tilespmem:v0+s0+$0x400 ss:$0x1], $0xffff;
	[tilespmem:s30+$0x20] =	vst v59  }
.Ltmp4:
0x61: {  	[tilespmem:s30+$0x30] =	vst v60;
	(pc) =	sbr.rel @p1 .LBB1_3-.Ltmp4, $4  }
0x62: {  	[tilespmem:s30+$0xFFFFFBF0] =	vst v61  }
0x63: {  	[tilespmem:s30+$0x40] =	vst v62  }
0x64: {  	s31 =	sadd.s32 $0x800, s28;
	s21 =	sadd.s32 $0x800, s21;
	[tilespmem:s30+$0x50] =	vst v63  }
0x65: {  	s26 =	sadd.s32 $0x80, s26;
	p0 =	por !p0, !p0;
	s22 =	sadd.s32 $0x80, s22;
	[tilespmem:s31+$0x0] =	vst v0  }
0x66: {  	s0 =	sshll.u32 s19, $0x7  }
0x67: {  	s4 =	sand.u32 $0x78, s16;
	s18 =	sshll.u32 s18, $0x14;
	s17 =	sshll.u32 s17, $0x11  }
0x68: {  	s30 =	sand.u32 $0x7, s16;
	s19 =	sand.u32 $0x380, s0;
	s0 =	sand.u32 $0x1FC00, s0  }
.Ltmp5:
0x69: {  	s18 =	sadd.s32 s7, s18;
	s4 =	sor.u32 s19, s4;
	(pc) =	sbr.rel .LBB1_7-.Ltmp5, $4  }
0x6a: {  	s0 =	sadd.s32 s16, s0;
	s17 =	sadd.s32 s17, s18;
	s4 =	sshrl.u32 s4, $0x3  }
0x6b: {  	s16 =	sshll.u32 s30, $0x12;
	s0 =	sand.u32 $0x1FF80, s0;
	s4 =	sadd.s32 s4, s17  }
0x6c: {  	s31 =	sor.u32 $0x800, s16;
	s0 =	sadd.s32 s0, s4  }
0x6d: {  	[hbm4b:s0+s31] =	stream.strided.scatter [tilespmem:s20], [sflag:$0x2], $0x4000, s9, s31, $0x38;
	[tilespmem:$0x10000] =	vst v63  }
.LBB1_8:
0x6e: {  	_ =	sfence.sel $0x180000  }
0x6f: {  	s0 =	simm.s32 $0x1;
	[bflag:$0x0] =	sbarrier.arrive $0xFFFF  }
0x70: {  	s30 =	simm.s32 $0x2;
	[sflag:s0] =	ssyncpa.u1 $0x1  }
0x71: {  	[sflag:s30] =	ssyncpa.u1 $0x1  }
0x72: {  	_ =	strace $0x90000047  }
0x73: {  	s31 =	stileid.u32;
	[bflag:$0x2] =	sbarrier.arrive $0xFFFF  }
0x74: {  	p0 =	sne.s32 s31, $0x0;
	s0 =	rddreg [dreg:$0x2]  }
0x75: {  	s0 =	sadd.s32 @!p0 $0x100000, s0  }
0x76: {  	[sflag:s0] =	ssyncadd.tile.s32 @!p0 $0x1;
	_ =	shalt  }
.Lfunc_end1:
_tile_overlayer_lowered:
.L_overlay_start_2:
0x77: {  	(tag) =	ssettag $0x2  }
0x78: {  	s0 =	rddreg [dreg:$0x0];
	s2 =	stileid.u32  }
0x79: {  	s1 =	rddreg [dreg:$0x1];
	p0 =	sne.s32 s2, $0x0  }
0x7a: {  	s3 =	rddreg [dreg:$0x2];
	[bflag:$0x3] =	sbarrier.arrive $0xFFFF;
	s2 =	simm.s32 @!p0 $0x1C01  }
0x7b: {  	[timem:s3], [sflag:s2] =	dma.local @!p0 [hbm:s0], s1  }
0x7c: {  	s0 =	simm.s32 @!p0 $0x1  }
0x7d: {  	_ =	swait.ge @!p0 [sflag:s0], s1  }
0x7e: {  	s1 =	ssub.s32 @!p0 $0x0, s1;
	[sflag:s0] =	ssyncset.done @!p0 $0x0  }
0x7f: {  	[sflag:s0] =	ssyncadd.s32 @!p0 s1  }
0x80: {  	[bflag:$0x3] =	sbarrier.arrive $0xFFFF  }
0x81: {  	_ =	shalt  }

// kernel: sparse-core-data-format-call.cloned.1.call-start
scs
called_computation_lowered:
.L_overlay_start_0:
0x0: {  	s2 =	sld [smem:$0x3FD9]  }
0x1: {  	s3 =	sld [smem:$0x3FFE];
	_ =	sdelay $0x1  }
0x2: {  	s1 =	srdreg.scid  }
0x3: {  	s0 =	sand.u32 $0x1, s1  }
0x4: {  	s18 =	sshll.u32 s0, $0xA;
	s2 =	sadd.s32 s3, s2  }
0x5: {  	s2 =	sadd.s32 s2, s18  }
0x6: {  	[smem:$0x3FC3] =	sst s2  }
0x7: {  	_ = 	snop  }
0x8: {  	s19 =	sld [smem:$0x3FC7];
	(tm) =	ssettm $0x1  }
0x9: {  	s20 =	sld [smem:$0x3FFB];
	_ =	sdelay $0x3  }
0xa: {  	_ =	strace s20  }
0xb: {  	s2 =	sld [smem:$0x3FFC];
	_ =	sdelay $0x3  }
0xc: {  	_ =	strace s2  }
0xd: {  	s2 =	sld [smem:$0x3FFD];
	_ =	sdelay $0x3  }
0xe: {  	_ =	strace s2  }
0xf: {  	_ =	strace $0x8FFFFFFF  }
0x10: {  	s21 =	sld [smem:$0x3FDB];
	_ =	sdelay $0x1  }
0x11: {  	s4 =	simm.s32 $_scs_section_size  }
0x12: {  	s5 =	simm.s32 $_size__tile_overlayer_lowered;
	s6 =	simm.s32 $_tile_overlayer_lowered  }
0x13: {  	s7 =	simm.s32 $0x1BFF;
	s22 =	sshll.u32 s6, $0x1;
	s4 =	sadd.s32 s4, s21  }
0x14: {  	s23 =	simm.s32 $0x0;
	s5 =	sshll.u32 s5, $0x1;
	s6 =	sadd.s32 s22, s4  }
0x15: {  	[timem:s23], [sflag:s7] =	dma.local [hbm:s6], s5  }
0x16: {  	_ =	swait.ge [sflag:s7], s5  }
0x17: {  	s5 =	ssub.s32 $0x0, s5;
	[sflag:s7] =	ssyncset.done $0x0  }
0x18: {  	[sflag:s7] =	ssyncadd.s32 s5;
	_ =	sdelay $0x1  }
0x19: {  	s24 =	simm.s32 $0x1B8B  }
0x1a: {  	_ =	swait.ge [sflag:s24], $0x1  }
0x1b: {  	[sflag:s24] =	ssyncset.done $0x0  }
0x1c: {  	[sflag:s24] =	ssyncadd.s32 $0xFFFFFFFF  }
0x1d: {  	s5 =	sld [smem:$0x0]  }
0x1e: {  	s6 =	sand.u32 $0xFFFFFFFE, s1  }
0x1f: {  	p0 =	sne.s32 s1, s6  }
0x20: {  	s6 =	sshll.u32 @p0 s6, $0xE  }
0x21: {  	s6 =	sadd.s32 @p0 $0x11B8D, s6;
	s7 =	sshll.u32 @p0 s5, $0x11  }
0x22: {  	s6 =	sor.u32 @p0 s7, s6  }
0x23: {  	[sflag:s6] =	ssyncadd.remote.s32 @p0 $0x1;
	_ =	sdelay $0x1  }
0x24: {  	s6 =	simm.s32 @p0 $0x1B8D  }
0x25: {  	_ =	swait.eq @p0 [sflag:s6], $0x1  }
0x26: {  	[sflag:s6] =	ssyncadd.s32 @p0 $0xFFFFFFFF  }
0x27: {  	s7 =	sshll.u32 @!p0 s1, $0xE  }
0x28: {  	s7 =	sor.u32 @!p0 $0x4000, s7;
	s6 =	simm.s32 @!p0 $0x1B8D  }
0x29: {  	s5 =	sshll.u32 @!p0 s5, $0x11;
	s7 =	sadd.s32 @!p0 $0x11B8D, s7;
	_ =	swait.eq @!p0 [sflag:s6], $0x1  }
0x2a: {  	s5 =	sor.u32 @!p0 s5, s7;
	[sflag:s6] =	ssyncadd.s32 @!p0 $0xFFFFFFFF  }
0x2b: {  	s26 =	simm.s32 $0x1B8E;
	s25 =	sld [smem:$0x3FFE];
	[sflag:s5] =	ssyncadd.remote.s32 @!p0 $0x1  }
0x2c: {  	s27 =	simm.s32 $execute0_lowered;
	[smem:$0x3FD2] =	sst s26  }
0x2d: {  	s6 =	sshll.u32 s27, $0x1;
	_ =	strace $0x8000004C;
	[dreg:$0x1] =	wrdreg $0xFFFFFFFF  }
0x2e: {  	s28 =	simm.s32 $_size_execute0_lowered;
	s4 =	sadd.s32 s4, s6;
	[dreg:$0x0] =	wrdreg $0x0  }
0x2f: {  	s6 =	sshll.u32 s28, $0x1;
	[dreg:$0x2] =	wrdreg s4  }
0x30: {  	[dreg:$0x3] =	wrdreg s6  }
0x31: {  	[dreg:$0x4] =	wrdreg $0xC0  }
0x32: {  	_ =	task [dreg:s23], $0x5FFFF  }
0x33: {  	[dreg:$0x1] =	wrdreg $0xFFFFFFFF  }
0x34: {  	[dreg:$0x0] =	wrdreg $0x60  }
0x35: {  	[dreg:$0x2] =	wrdreg s19  }
0x36: {  	[dreg:$0x3] =	wrdreg s25  }
0x37: {  	[dreg:$0x4] =	wrdreg $0x9  }
0x38: {  	_ =	task.clear_ibuf [dreg:s23], $0x5FFFF;
	_ =	strace $0x9000004C  }
0x39: {  	s29 =	simm.s32 $0x9;
	_ =	strace $0x8000004E  }
0x3a: {  	_ =	swait.ge [sflag:s29], $0x1  }
0x3b: {  	[sflag:s29] =	ssyncadd.s32 $0xFFFFFFFF  }
0x3c: {  	_ =	strace $0x9000004E  }
0x3d: {  	_ =	sfence  }
0x3e: {  	s30 =	sld [smem:$0x0];
	_ =	sdelay $0x2  }
0x3f: {  	s31 =	sshll.u32 s1, $0xD;
	s1 =	sshrl.u32 s1, $0x2  }
0x40: {  	s4 =	sand.u32 $0x4000, s31;
	s1 =	sadd.s32 s1, s30  }
0x41: {  	s0 =	sor.u32 s4, s0;
	s1 =	sshll.u32 s1, $0x11  }
0x42: {  	s0 =	sor.u32 s1, s0  }
0x43: {  	s0 =	sadd.s32 $0x8F2B, s0  }
0x44: {  	[sflag:s0] =	ssyncadd.remote.s32 $0x1  }
0x45: {  	_ =	sfence.sel $0xFFFF  }
0x46: {  	[dreg:$0x0] =	wrdreg $0xFFFFFFFF;
	(pc) =	sbr.abs _section_cstart, $3  }
0x47: {  	[dreg:$0x1] =	wrdreg $0xFFFFFFFF  }
0x48: {  	_ =	task.clear_ibuf [dreg:s23], $0x2FFFF;
	_ =	strace $0x9FFFFFFF  }
0x49: {  	(tm) =	ssettm $0x7FFFFFFF  }
tec
execute0_lowered:
.L_overlay_start_1:
0x0: {  	(tag) =	ssettag $0x1  }
0x1: {  	s2 =	rddreg [dreg:$0x0]  }
0x2: {  	s1 =	rddreg [dreg:$0x1]  }
0x3: {  	s0 =	rddreg [dreg:$0x2];
	_ =	strace $0x8000004D;
	s4 =	srdreg.scid  }
0x4: {  	s6 =	simm.s32 $0x2;
	s11 =	simm.s32 $0x0;
	p0 =	por $0x0, $0x0  }
.Ltmp0:
0x5: {  	s7 =	simm.s32 $0x1000;
	s12 =	simm.s32 $0x0;
	(pc) =	sbr.rel .LBB1_1-.Ltmp0, $4  }
0x6: {  	s9 =	simm.s32 $0x0;
	s3 =	sadd.s32 $0x401200, s1;
	s5 =	sshll.u32 s4, $0x4  }
0x7: {  	s1 =	stileid.u32;
	s4 =	simm.s32 $0x1;
	s5 =	sand.u32 $0x10, s5  }
0x8: {  	s8 =	simm.s32 $0x0;
	[sflag:s4] =	ssyncpa.u1 $0x0;
	s5 =	sor.u32 s1, s5  }
0x9: {  	[sflag:s6] =	ssyncpa.u1 $0x0;
	s6 =	simm.s32 $0x800;
	s10 =	smov.u32 s5  }
.LBB1_7:
0xa: {  	s13 =	sadd.s32 $0x10, s9  }
0xb: {  	s11 =	sadd.s32 $0x20, s10;
	s15 =	smov.u32 s10;
	p2 =	sgt.s32 s13, $0x1F  }
0xc: {  	p1 =	slt.u32 s8, $0x2;
	s15 =	smov.u32 @p2 s11  }
0xd: {  	s8 =	sadd.s32 $0x1, s8;
	s13 =	simm.s32 @p2 $0x0;
	p2 =	sgt.s32 s15, $0x1FF  }
0xe: {  	s15 =	smov.u32 @p2 s5;
	p2 =	sne.s32 s8, $0x22  }
.Ltmp1:
0xf: {  	_ = 	snop;
	(pc) =	sbr.rel @!p2 .LBB1_8-.Ltmp1, $4  }
0x10: {  	s14 =	simm.s32 @!p1 $0x2  }
0x11: {  	s12 =	smov.u32 s10;
	_ =	swait.ge @!p1 [sflag:s14], $0x4000  }
0x12: {  	p0 =	por !p0, !p0;
	s11 =	smov.u32 s9;
	[sflag:s14] =	ssyncset.done @!p1 $0x0  }
0x13: {  	s9 =	smov.u32 s13;
	[sflag:s14] =	ssyncadd.s32 @!p1 $0xFFFFC000;
	s10 =	smov.u32 s15  }
.LBB1_1:
0x14: {  	p1 =	sgt.u32 s8, $0x1F  }
0x15: {  	s13 =	sxor.u32 @!p1 $0xFFFFFFFF, s8;
	s14 =	sshll.u32 @!p1 s10, $0xC  }
0x16: {  	s15 =	sshll.u32 @!p1 s9, $0x7;
	s13 =	sshll.u32 @!p1 s13, $0xE;
	s14 =	sadd.s32 @!p1 s2, s14  }
0x17: {  	s13 =	sand.u32 @!p1 $0x4000, s13;
	s14 =	sadd.s32 @!p1 s15, s14;
	s15 =	simm.s32 @!p1 $0x0  }
0x18: {  	[tilespmem:s13], [sflag:$0x1] =	stream.linear.gather @!p1 [hbm4b:s14+s15], $0x4000, $0x38;
	[tilespmem:$0x10000] =	vst v63  }
0x19: {  	p1 =	seq.s32 s8, $0x0  }
0x1a: {  	p2 =	seq.s32 @!p1 s8, $0x21  }
0x1b: {  	p1 =	por p1, p2  }
.Ltmp2:
0x1c: {  	_ = 	snop;
	(pc) =	sbr.rel @p1 .LBB1_7-.Ltmp2, $1  }
0x1d: {  	_ =	sdelay $0x3  }
0x1e: {  	s13 =	simm.s32 $0x1;
	_ =	swait.ge [sflag:s4], $0x4000;
	s16 =	sshll.u32 s8, $0xE  }
0x1f: {  	s13 =	simm.s32 @!p0 $0x0;
	[sflag:s4] =	ssyncset.done $0x0;
	s31 =	sand.u32 $0x4000, s16  }
0x20: {  	s16 =	simm.s32 $0x0;
	s14 =	sshll.u32 s13, $0xE;
	[sflag:s4] =	ssyncadd.s32 $0xFFFFC000  }
0x21: {  	s13 =	sor.u32 $0x8040, s14;
	s15 =	sor.u32 $0x40, s14;
	s14 =	sor.u32 $0x8000, s31  }
.LBB1_3:
0x22: {  	v0 =	vmov s15;
	_ =	sdelay $0x3  }
0x23: {  	s18 =	simm.s32 $0x0  }
0x24: {  	v6 =	vld.idx.msk [tilespmem:v0+s18+$0x30 ss:$0x1], $0xffff  }
0x25: {  	v7 =	vld.idx.msk [tilespmem:v0+s18+$0xFFFFFFC0 ss:$0x1], $0xffff  }
0x26: {  	v5 =	vld.idx.msk [tilespmem:v0+s18+$0xFFFFFFD0 ss:$0x1], $0xffff  }
0x27: {  	v4 =	vld.idx.msk [tilespmem:v0+s18+$0xFFFFFFE0 ss:$0x1], $0xffff  }
0x28: {  	v3 =	vld.idx.msk [tilespmem:v0+s18+$0xFFFFFFF0 ss:$0x1], $0xffff  }
0x29: {  	v1 =	vld.idx.msk [tilespmem:v0+s18+$0x0 ss:$0x1], $0xffff  }
0x2a: {  	v2 =	vld.idx.msk [tilespmem:v0+s18+$0x10 ss:$0x1], $0xffff;
	[tilespmem:s13+$0x30] =	vst v6  }
0x2b: {  	s17 =	simm.s32 $0x80;
	s19 =	simm.s32 $0x400;
	[tilespmem:s13+$0xFFFFFFC0] =	vst v7;
	v6 =	vld.idx.msk [tilespmem:v0+s18+$0x20 ss:$0x1], $0xffff;
	s18 =	smov.u32 s13  }
.LBB1_4:
0x2c: {  	p1 =	sne.s32 s19, $0xE00;
	v7 =	vld.idx.msk [tilespmem:v0+s17+$0x30 ss:$0x1], $0xffff;
	[tilespmem:s18+$0xFFFFFFD0] =	vst v5  }
0x2d: {  	v8 =	vld.idx.msk [tilespmem:v0+s17+$0xFFFFFFC0 ss:$0x1], $0xffff;
	[tilespmem:s18+$0xFFFFFFE0] =	vst v4  }
0x2e: {  	v5 =	vld.idx.msk [tilespmem:v0+s17+$0xFFFFFFD0 ss:$0x1], $0xffff;
	[tilespmem:s18+$0xFFFFFFF0] =	vst v3  }
.Ltmp3:
0x2f: {  	v4 =	vld.idx.msk [tilespmem:v0+s17+$0xFFFFFFE0 ss:$0x1], $0xffff;
	[tilespmem:s18+$0x0] =	vst v1;
	(pc) =	sbr.rel @p1 .LBB1_4-.Ltmp3, $4  }
0x30: {  	v3 =	vld.idx.msk [tilespmem:v0+s17+$0xFFFFFFF0 ss:$0x1], $0xffff;
	[tilespmem:s18+$0x10] =	vst v2  }
0x31: {  	v1 =	vld.idx.msk [tilespmem:v0+s17+$0x0 ss:$0x1], $0xffff;
	[tilespmem:s18+$0x20] =	vst v6;
	s18 =	sadd.s32 $0x800, s18  }
0x32: {  	v2 =	vld.idx.msk [tilespmem:v0+s17+$0x10 ss:$0x1], $0xffff;
	[tilespmem:s18+$0x30] =	vst v7  }
0x33: {  	[tilespmem:s18+$0xFFFFFFC0] =	vst v8;
	v6 =	vld.idx.msk [tilespmem:v0+s17+$0x20 ss:$0x1], $0xffff;
	s17 =	sshra.s32 s19, $0x2;
	s19 =	sadd.s32 $0x200, s19  }
0x34: {  	_ =	sdelay $0x2  }
0x35: {  	[tilespmem:s18+$0xFFFFFFD0] =	vst v5  }
0x36: {  	v56 =	vld.idx.msk [tilespmem:v0+s17+$0x30 ss:$0x1], $0xffff;
	[tilespmem:s18+$0xFFFFFFE0] =	vst v4  }
0x37: {  	v57 =	vld.idx.msk [tilespmem:v0+s17+$0xFFFFFFC0 ss:$0x1], $0xffff;
	[tilespmem:s18+$0xFFFFFFF0] =	vst v3  }
0x38: {  	v58 =	vld.idx.msk [tilespmem:v0+s17+$0xFFFFFFD0 ss:$0x1], $0xffff;
	[tilespmem:s18+$0x0] =	vst v1  }
0x39: {  	v59 =	vld.idx.msk [tilespmem:v0+s17+$0xFFFFFFE0 ss:$0x1], $0xffff;
	[tilespmem:s18+$0x10] =	vst v2  }
0x3a: {  	v60 =	vld.idx.msk [tilespmem:v0+s17+$0xFFFFFFF0 ss:$0x1], $0xffff;
	s31 =	sadd.s32 $0x800, s18;
	[tilespmem:s18+$0x20] =	vst v6  }
0x3b: {  	v61 =	vld.idx.msk [tilespmem:v0+s17+$0x0 ss:$0x1], $0xffff;
	[tilespmem:s31+$0x30] =	vst v56  }
0x3c: {  	v62 =	vld.idx.msk [tilespmem:v0+s17+$0x10 ss:$0x1], $0xffff;
	s16 =	sadd.s32 $0x1, s16;
	[tilespmem:s31+$0xFFFFFFC0] =	vst v57  }
0x3d: {  	v63 =	vld.idx.msk [tilespmem:v0+s17+$0x20 ss:$0x1], $0xffff;
	p1 =	sne.s32 s16, $0x10;
	[tilespmem:s31+$0xFFFFFFD0] =	vst v58  }
.Ltmp4:
0x3e: {  	[tilespmem:s31+$0xFFFFFFE0] =	vst v59;
	(pc) =	sbr.rel @p1 .LBB1_3-.Ltmp4, $4  }
0x3f: {  	[tilespmem:s31+$0xFFFFFFF0] =	vst v60  }
0x40: {  	[tilespmem:s31+$0x0] =	vst v61  }
0x41: {  	[tilespmem:s31+$0x10] =	vst v62  }
0x42: {  	s13 =	sadd.s32 $0x80, s13;
	s15 =	sadd.s32 $0x400, s15;
	[tilespmem:s31+$0x20] =	vst v63  }
.Ltmp5:
0x43: {  	(pc) =	sbr.rel .LBB1_7-.Ltmp5, $4  }
0x44: {  	s12 =	sshll.u32 s12, $0xC;
	s11 =	sshll.u32 s11, $0x4  }
0x45: {  	s11 =	sand.u32 $0x1F0, s11;
	s12 =	sadd.s32 s3, s12  }
0x46: {  	s11 =	sadd.s32 s11, s12  }
0x47: {  	[hbm4b:s11+s6] =	stream.strided.scatter [tilespmem:s14], [sflag:$0x2], $0x4000, s7, s6, $0x38;
	[tilespmem:$0x10000] =	vst v63  }
.LBB1_8:
0x48: {  	_ =	sfence.sel $0x180000  }
0x49: {  	s2 =	simm.s32 $0x1;
	[bflag:$0x0] =	sbarrier.arrive $0xFFFF  }
0x4a: {  	s31 =	simm.s32 $0x2;
	[sflag:s2] =	ssyncpa.u1 $0x1  }
0x4b: {  	[sflag:s31] =	ssyncpa.u1 $0x1  }
0x4c: {  	p0 =	sne.s32 s1, $0x0;
	_ =	strace $0x9000004D  }
0x4d: {  	s0 =	sadd.s32 @!p0 $0x100000, s0;
	[bflag:$0x2] =	sbarrier.arrive $0xFFFF  }
0x4e: {  	[sflag:s0] =	ssyncadd.tile.s32 @!p0 $0x1;
	_ =	shalt  }
.Lfunc_end1:
_tile_overlayer_lowered:
.L_overlay_start_2:
0x4f: {  	(tag) =	ssettag $0x2  }
0x50: {  	s0 =	rddreg [dreg:$0x0];
	s2 =	stileid.u32  }
0x51: {  	s1 =	rddreg [dreg:$0x1];
	p0 =	sne.s32 s2, $0x0  }
0x52: {  	s3 =	rddreg [dreg:$0x2];
	[bflag:$0x3] =	sbarrier.arrive $0xFFFF;
	s2 =	simm.s32 @!p0 $0x1C01  }
0x53: {  	[timem:s3], [sflag:s2] =	dma.local @!p0 [hbm:s0], s1  }
0x54: {  	s0 =	simm.s32 @!p0 $0x1  }
0x55: {  	_ =	swait.ge @!p0 [sflag:s0], s1  }
0x56: {  	s1 =	ssub.s32 @!p0 $0x0, s1;
	[sflag:s0] =	ssyncset.done @!p0 $0x0  }
0x57: {  	[sflag:s0] =	ssyncadd.s32 @!p0 s1  }
0x58: {  	[bflag:$0x3] =	sbarrier.arrive $0xFFFF  }
0x59: {  	_ =	shalt  }

</sc_bundles>
